<compile_context>
chip_gen: v7x
topology: tpu7x:2x2x1
jax: 0.10.2.dev20260603
libtpu: 0.0.44.dev20260713+nightly
codegen_flags: <defaults>
</compile_context>

<pallas_src>
import jax
import jax.numpy as jnp
from jax import lax
from jax.experimental import pallas as pl
from jax.experimental.pallas import tpu as pltpu
from jax.experimental.pallas import tpu_sc as plsc

N = 10000
E = 160000
H = 256
HH = 128
C = 4

NSUB = 16
NCORE = 2
B = 224
RS = 8
NCH = 48
NT = NCH // RS
EPSUB = NCH * B
EPAD = NSUB * EPSUB
PADF = float(EPAD - E)

ZR = N // NSUB

BN = 1000
NBLK = N // BN




def _sc_agg_body(h_hbm, src_hbm, dst_hbm, zeros_hbm, out_hbm,
                 src_r, dst_r, bufs, agg_sh, gsems, ssems, rsems):
    c = lax.axis_index("c")
    s = lax.axis_index("s")

    pltpu.sync_copy(src_hbm.at[c].at[s], src_r)
    pltpu.sync_copy(dst_hbm.at[s], dst_r)

    pltpu.sync_copy(zeros_hbm, bufs.at[0])
    plsc.subcore_barrier()

    def gather(idx_ref, b, sem):
        pltpu.async_copy(h_hbm.at[idx_ref], bufs.at[b], sem)

    def gather_wait(b, sem):
        pltpu.make_async_copy(h_hbm.at[src_r.at[0]], bufs.at[b],
                              sem).wait()

    def scat(idx_ref, b, sem):
        pltpu.async_copy(bufs.at[b], agg_sh.at[idx_ref], sem, add=True)

    def scat_wait(b, sem):
        pltpu.make_async_copy(bufs.at[b], agg_sh.at[dst_r.at[0]],
                              sem).wait()

    gather(src_r.at[0], 0, gsems.at[0])

    def body(t, carry):
        for u in range(2):
            ch = 2 * t + u

            @pl.when(ch + 1 < NCH)
            def _():
                gather(src_r.at[ch + 1], 1 - u, gsems.at[1 - u])

            gather_wait(u, gsems.at[u])
        return carry

    lax.fori_loop(0, NCH // 2, body, 0)
    plsc.subcore_barrier()

    pltpu.sync_copy(agg_sh.at[pl.ds(0, ZR)],
                    out_hbm.at[c].at[pl.ds(s * ZR, ZR)])


def _sc_agg(h2, src2, dstc, zeros_blk):
    mesh = plsc.VectorSubcoreMesh(core_axis_name="c", subcore_axis_name="s",
                                  num_cores=NCORE, num_subcores=NSUB)
    fn = pl.kernel(
        _sc_agg_body,
        jax.ShapeDtypeStruct((NCORE, N, HH), jnp.float32),
        mesh=mesh,
        scratch_types=[
            pltpu.VMEM((NCH, B), jnp.int32),
            pltpu.VMEM((NCH, B), jnp.int32),
            pltpu.VMEM((2, B, HH), jnp.float32),
            pltpu.VMEM_SHARED((512, HH), jnp.float32),
            pltpu.SemaphoreType.DMA((2,)),
            pltpu.SemaphoreType.DMA((2,)),
            pltpu.SemaphoreType.DMA((2,)),
        ],
        compiler_params=pltpu.CompilerParams(use_tc_tiling_on_sc=False),
    )
    return fn(h2, src2, dstc, zeros_blk)




def _cat2(ref):
    return jnp.concatenate([ref[0], ref[1]], axis=1)


def _mlp_body(h_ref, a_ref, w1_ref, b1_ref, w2_ref, b2_ref, o_ref):
    i = pl.program_id(0)
    hin = _cat2(h_ref)
    agg = _cat2(a_ref)
    rows = lax.broadcasted_iota(jnp.int32, (BN, 1), 0)
    corr = jnp.where(jnp.logical_and(i == 0, rows == 0), PADF, 0.0)
    h = hin + agg - corr * hin
    t = jnp.dot(h, w1_ref[...], preferred_element_type=jnp.float32)
    t = jnp.maximum(t + b1_ref[...], 0.0)
    o = jnp.dot(t, w2_ref[...], preferred_element_type=jnp.float32)
    o = jnp.maximum(o + b2_ref[...], 0.0)
    o_ref[0] = o[:, :HH]
    o_ref[1] = o[:, HH:]


def _mlp(h_split, agg, w1, b1, w2, b2):
    blk3 = pl.BlockSpec((NCORE, BN, HH), lambda i: (0, i, 0))
    full = pl.BlockSpec((H, H), lambda i: (0, 0))
    bias = pl.BlockSpec((1, H), lambda i: (0, 0))
    return pl.pallas_call(
        _mlp_body,
        grid=(NBLK,),
        in_specs=[blk3, blk3, full, bias, full, bias],
        out_specs=blk3,
        out_shape=jax.ShapeDtypeStruct((NCORE, N, HH), jnp.float32),
    )(h_split, agg, w1, b1, w2, b2)


def _attn_body(h_ref, wa_ref, ba_ref, wb_ref, bb_ref, wc_ref, bc_ref, s_ref):
    h = _cat2(h_ref)
    a = jnp.tanh(jnp.dot(h, wa_ref[...], preferred_element_type=jnp.float32)
                 + ba_ref[...])
    g = jax.nn.sigmoid(jnp.dot(h, wb_ref[...],
                               preferred_element_type=jnp.float32)
                       + bb_ref[...])
    s_ref[...] = (jnp.dot(a * g, wc_ref[...],
                          preferred_element_type=jnp.float32) + bc_ref[...])


def _attn_scores(h_split, wa, ba, wb, bb, wc, bc):
    blk3 = pl.BlockSpec((NCORE, BN, HH), lambda i: (0, i, 0))
    full = pl.BlockSpec((H, H), lambda i: (0, 0))
    bias = pl.BlockSpec((1, H), lambda i: (0, 0))
    return pl.pallas_call(
        _attn_body,
        grid=(NBLK,),
        in_specs=[blk3, full, bias, full, bias,
                  pl.BlockSpec((H, 1), lambda i: (0, 0)),
                  pl.BlockSpec((1, 1), lambda i: (0, 0))],
        out_specs=pl.BlockSpec((BN, 1), lambda i: (i, 0)),
        out_shape=jax.ShapeDtypeStruct((N, 1), jnp.float32),
    )(h_split, wa, ba, wb, bb, wc, bc)


def _pool_body(s_ref, sblk_ref, h_ref, wr_ref, br_ref, wcls_ref, bcls_ref,
               logits_ref, prob_ref, yhat_ref, acc_ref):
    i = pl.program_id(0)
    s_all = s_ref[...]
    m = jnp.max(s_all)
    s_blk = sblk_ref[...]
    h = _cat2(h_ref)
    part = jnp.sum(jnp.exp(s_blk - m) * h, axis=0, keepdims=True)

    @pl.when(i == 0)
    def _():
        acc_ref[...] = part

    @pl.when(i > 0)
    def _():
        acc_ref[...] = acc_ref[...] + part

    @pl.when(i == pl.num_programs(0) - 1)
    def _():
        z = jnp.sum(jnp.exp(s_all - m))
        hp = acc_ref[...] / z
        r = jnp.dot(hp, wr_ref[...], preferred_element_type=jnp.float32)
        r = jnp.maximum(r + br_ref[...], 0.0)
        logits = (jnp.dot(r, wcls_ref[...],
                          preferred_element_type=jnp.float32) + bcls_ref[...])
        logits_ref[...] = logits
        mm = jnp.max(logits)
        e = jnp.exp(logits - mm)
        prob_ref[...] = e / jnp.sum(e)
        idx = lax.broadcasted_iota(jnp.int32, (1, C), 1)
        yhat_ref[...] = jnp.min(jnp.where(logits == mm, idx, C),
                                axis=1, keepdims=True)


def _pool(s, h_split, wr, br, wcls, bcls):
    blk3 = pl.BlockSpec((NCORE, BN, HH), lambda i: (0, i, 0))
    full = pl.BlockSpec((H, H), lambda i: (0, 0))
    bias = pl.BlockSpec((1, H), lambda i: (0, 0))
    return pl.pallas_call(
        _pool_body,
        grid=(NBLK,),
        in_specs=[pl.BlockSpec((N, 1), lambda i: (0, 0)),
                  pl.BlockSpec((BN, 1), lambda i: (i, 0)), blk3, full, bias,
                  pl.BlockSpec((H, C), lambda i: (0, 0)),
                  pl.BlockSpec((1, C), lambda i: (0, 0))],
        out_specs=[pl.BlockSpec((1, C), lambda i: (0, 0)),
                   pl.BlockSpec((1, C), lambda i: (0, 0)),
                   pl.BlockSpec((1, 1), lambda i: (0, 0))],
        out_shape=[jax.ShapeDtypeStruct((1, C), jnp.float32),
                   jax.ShapeDtypeStruct((1, C), jnp.float32),
                   jax.ShapeDtypeStruct((1, 1), jnp.int32)],
        scratch_shapes=[pltpu.VMEM((1, H), jnp.float32)],
    )(s, s, h_split, wr, br, wcls, bcls)




def kernel(x, edge_index, w1a, b1a, w1b, b1b, w2a, b2a, w2b, b2b,
           w3a, b3a, w3b, b3b, wa, ba, wb, bb, wc, bc, wr, br, wcls, bcls):
    src = edge_index[0].astype(jnp.int32)
    dst = edge_index[1].astype(jnp.int32)
    pad = EPAD - E
    src_p = jnp.concatenate([src, jnp.zeros((pad,), jnp.int32)])
    dst_p = jnp.concatenate([dst, jnp.zeros((pad,), jnp.int32)])
    src2 = jnp.stack([src_p, src_p + N]).reshape(NCORE, NSUB, NCH, B)
    dstc = dst_p.reshape(NSUB, NCH, B)
    zeros_blk = jnp.zeros((B, HH), jnp.float32)

    def layer(h_split, w1, b1, w2, b2):
        h2 = h_split.reshape(NCORE * N, HH)
        agg = _sc_agg(h2, src2, dstc, zeros_blk)
        return _mlp(h_split, agg, w1, b1.reshape(1, H), w2, b2.reshape(1, H))

    h_split = x.reshape(N, NCORE, HH).transpose(1, 0, 2)
    h_split = layer(h_split, w1a, b1a, w1b, b1b)
    h_split = layer(h_split, w2a, b2a, w2b, b2b)
    h_split = layer(h_split, w3a, b3a, w3b, b3b)

    s = _attn_scores(h_split, wa, ba.reshape(1, H), wb, bb.reshape(1, H),
                     wc, bc.reshape(1, 1))
    logits, y_prob, y_hat = _pool(s, h_split, wr, br.reshape(1, H),
                                  wcls, bcls.reshape(1, C))
    return (logits, y_prob, y_hat)

# --- scband reference (transcript-rebuilt; emitter-appended) ---
"""Pipeline reference for scband-deep-graph-conv-28321014350438 (READ-ONLY COPY).

The authoritative reference and input builder live on the scoring server;
editing this copy changes nothing except your own understanding.
"""

import jax, jax.numpy as jnp
import numpy as np

N = 10000
E = 160000
F_IN = 256
H = 256
C = 4

def _lin_params(key, fan_in, fan_out):
    kw, kb = jax.random.split(key)
    w = jax.random.normal(kw, (fan_in, fan_out), dtype=jnp.float32) * (1.0 / np.sqrt(fan_in))
    b = jnp.zeros((fan_out,), dtype=jnp.float32)
    return w, b

def setup_inputs(seed: int = 0):
    key = jax.random.key(seed)
    ks = jax.random.split(key, 16)
    x = jax.random.normal(ks[0], (N, F_IN), dtype=jnp.float32)
    edge_index = jax.random.randint(ks[1], (2, E), 0, N)
    w1a, b1a = _lin_params(ks[2], F_IN, H)
    w1b, b1b = _lin_params(ks[3], H, H)
    w2a, b2a = _lin_params(ks[4], H, H)
    w2b, b2b = _lin_params(ks[5], H, H)
    w3a, b3a = _lin_params(ks[6], H, H)
    w3b, b3b = _lin_params(ks[7], H, H)
    wa, ba = _lin_params(ks[8], H, H)
    wb, bb = _lin_params(ks[9], H, H)
    wc, bc = _lin_params(ks[10], H, 1)
    wr, br = _lin_params(ks[11], H, H)
    wcls, bcls = _lin_params(ks[12], H, C)
    return {'x': x, 'edge_index': edge_index, 'w1a': w1a, 'b1a': b1a, 'w1b': w1b, 'b1b': b1b, 'w2a': w2a, 'b2a': b2a, 'w2b': w2b, 'b2b': b2b, 'w3a': w3a, 'b3a': b3a, 'w3b': w3b, 'b3b': b3b, 'wa': wa, 'ba': ba, 'wb': wb, 'bb': bb, 'wc': wc, 'bc': bc, 'wr': wr, 'br': br, 'wcls': wcls, 'bcls': bcls}

def _gin(h, edge_index, w1, b1, w2, b2):
    # GINConv with eps=0: MLP((1+eps)*x + sum_{j in N(i)} x_j)
    src, dst = edge_index[0], edge_index[1]
    agg = jnp.zeros_like(h).at[dst].add(h[src])
    out = h + agg
    out = jnp.maximum(out @ w1 + b1, 0.0)
    out = out @ w2 + b2
    return out

def reference(x, edge_index, w1a, b1a, w1b, b1b, w2a, b2a, w2b, b2b, w3a, b3a, w3b, b3b, wa, ba, wb, bb, wc, bc, wr, br, wcls, bcls):
    x1 = jnp.maximum(_gin(x, edge_index, w1a, b1a, w1b, b1b), 0.0)
    x2 = jnp.maximum(_gin(x1, edge_index, w2a, b2a, w2b, b2b), 0.0)
    x3 = jnp.maximum(_gin(x2, edge_index, w3a, b3a, w3b, b3b), 0.0)
    h_path = x3
    # Attn_Net_Gated (eval mode: dropout = identity)
    a = jnp.tanh(h_path @ wa + ba)
    g = jax.nn.sigmoid(h_path @ wb + bb)
    A = (a * g) @ wc + bc            # [N, 1]
    A = A.T                          # [1, N]
    A = jax.nn.softmax(A, axis=1)
    h = A @ h_path                   # [1, H]
    h = jnp.maximum(h @ wr + br, 0.0)
    h = h.squeeze()                  # [H]
    logits = (h @ wcls + bcls)[None, :]   # [1, C]
    Y_prob = jax.nn.softmax(logits, axis=1)
    Y_hat = jax.lax.top_k(logits, 1)[1]
    return (logits, Y_prob, Y_hat)

if __name__ == "__main__":
    import jax
    _d = setup_inputs()
    print(jax.jit(kernel)(*tuple(_d.values())))

</pallas_src>

<mosaic_0001>
#map = affine_map<(d0, d1) -> (0, 0)>
#map1 = affine_map<(d0, d1) -> (0, 0, 0, 0)>
#map2 = affine_map<(d0, d1) -> (0, 0, 0)>
module attributes {stable_mosaic.version = 14 : i64} {
  func.func @_sc_agg_body(%arg0: i32, %arg1: i32, %arg2: memref<20000x128xf32, #tpu.memory_space<hbm>>, %arg3: memref<2x16x48x224xi32, #tpu.memory_space<hbm>>, %arg4: memref<16x48x224xi32, #tpu.memory_space<hbm>>, %arg5: memref<224x128xf32, #tpu.memory_space<hbm>>, %arg6: memref<2x10000x128xf32, #tpu.memory_space<hbm>>, %arg7: memref<48x224xi32, #tpu.memory_space<vmem>>, %arg8: memref<48x224xi32, #tpu.memory_space<vmem>>, %arg9: memref<2x224x128xf32, #tpu.memory_space<vmem>>, %arg10: memref<512x128xf32, #tpu.memory_space<vmem_shared>>, %arg11: memref<2x!tpu.dma_semaphore, #tpu.memory_space<semaphore_mem>>, %arg12: memref<2x!tpu.dma_semaphore, #tpu.memory_space<semaphore_mem>>, %arg13: memref<2x!tpu.dma_semaphore, #tpu.memory_space<semaphore_mem>>) attributes {dimension_semantics = [#tpu.dimension_semantics<core_parallel>, #tpu.dimension_semantics<subcore_parallel>], iteration_bounds = array<i64: 2, 16>, scalar_prefetch = 0 : i64, scratch_operands = 7 : i64, tpu.core_type = #tpu.core_type<sc_vector_subcore>, window_params = [{transform_indices = #map}, {transform_indices = #map1}, {transform_indices = #map2}, {transform_indices = #map}, {transform_indices = #map2}]} {
    "tpu.region"() ({
      %run_scoped3A_21 = tpu.sem_alloc : memref<!tpu.dma_semaphore, #tpu.memory_space<semaphore_mem>>
      %dma_start3A_22 = arith.constant 0 : i32
      %dma_start3A_23 = arith.constant 0 : i32
      %dma_start3A_24 = arith.constant 0 : i32
      %dma_start3A_25 = tpu.memref_slice %arg3[%arg0, %dma_start3A_22, %dma_start3A_23, %dma_start3A_24] : memref<2x16x48x224xi32, #tpu.memory_space<hbm>> -> memref<1x16x48x224xi32, #tpu.memory_space<hbm>>
      %dma_start3A_26 = tpu.memref_squeeze %dma_start3A_25 : memref<1x16x48x224xi32, #tpu.memory_space<hbm>> -> memref<16x48x224xi32, #tpu.memory_space<hbm>>
      %dma_start3A_27 = arith.constant 0 : i32
      %dma_start3A_28 = arith.constant 0 : i32
      %dma_start3A_29 = tpu.memref_slice %dma_start3A_26[%arg1, %dma_start3A_27, %dma_start3A_28] : memref<16x48x224xi32, #tpu.memory_space<hbm>> -> memref<1x48x224xi32, #tpu.memory_space<hbm>>
      %dma_start3A_30 = tpu.memref_squeeze %dma_start3A_29 : memref<1x48x224xi32, #tpu.memory_space<hbm>> -> memref<48x224xi32, #tpu.memory_space<hbm>>
      %dma_start3A_31 = arith.constant 0 : i32
      %dma_start3A_32 = arith.constant 0 : i32
      %dma_start3A_33 = arith.constant 0 : i32
      %dma_start3A_34 = tpu.memref_slice %arg3[%arg0, %dma_start3A_31, %dma_start3A_32, %dma_start3A_33] : memref<2x16x48x224xi32, #tpu.memory_space<hbm>> -> memref<1x16x48x224xi32, #tpu.memory_space<hbm>>
      %dma_start3A_35 = tpu.memref_squeeze %dma_start3A_34 : memref<1x16x48x224xi32, #tpu.memory_space<hbm>> -> memref<16x48x224xi32, #tpu.memory_space<hbm>>
      %dma_start3A_36 = arith.constant 0 : i32
      %dma_start3A_37 = arith.constant 0 : i32
      %dma_start3A_38 = tpu.memref_slice %dma_start3A_35[%arg1, %dma_start3A_36, %dma_start3A_37] : memref<16x48x224xi32, #tpu.memory_space<hbm>> -> memref<1x48x224xi32, #tpu.memory_space<hbm>>
      %dma_start3A_39 = tpu.memref_squeeze %dma_start3A_38 : memref<1x48x224xi32, #tpu.memory_space<hbm>> -> memref<48x224xi32, #tpu.memory_space<hbm>>
      tpu.enqueue_dma source(%dma_start3A_39 : memref<48x224xi32, #tpu.memory_space<hbm>>) target(%arg7 : memref<48x224xi32, #tpu.memory_space<vmem>>) target_semaphore(%run_scoped3A_21 : memref<!tpu.dma_semaphore, #tpu.memory_space<semaphore_mem>>)
      %dma_wait3A = arith.constant 0 : i32
      %dma_wait3A_40 = arith.constant 0 : i32
      %dma_wait3A_41 = arith.constant 0 : i32
      %dma_wait3A_42 = tpu.memref_slice %arg3[%arg0, %dma_wait3A, %dma_wait3A_40, %dma_wait3A_41] : memref<2x16x48x224xi32, #tpu.memory_space<hbm>> -> memref<1x16x48x224xi32, #tpu.memory_space<hbm>>
      %dma_wait3A_43 = tpu.memref_squeeze %dma_wait3A_42 : memref<1x16x48x224xi32, #tpu.memory_space<hbm>> -> memref<16x48x224xi32, #tpu.memory_space<hbm>>
      %dma_wait3A_44 = arith.constant 0 : i32
      %dma_wait3A_45 = arith.constant 0 : i32
      %dma_wait3A_46 = tpu.memref_slice %dma_wait3A_43[%arg1, %dma_wait3A_44, %dma_wait3A_45] : memref<16x48x224xi32, #tpu.memory_space<hbm>> -> memref<1x48x224xi32, #tpu.memory_space<hbm>>
      %dma_wait3A_47 = tpu.memref_squeeze %dma_wait3A_46 : memref<1x48x224xi32, #tpu.memory_space<hbm>> -> memref<48x224xi32, #tpu.memory_space<hbm>>
      %dma_wait3A_48 = arith.constant 0 : i32
      %dma_wait3A_49 = arith.constant 0 : i32
      %dma_wait3A_50 = arith.constant 0 : i32
      %dma_wait3A_51 = tpu.memref_slice %arg3[%arg0, %dma_wait3A_48, %dma_wait3A_49, %dma_wait3A_50] : memref<2x16x48x224xi32, #tpu.memory_space<hbm>> -> memref<1x16x48x224xi32, #tpu.memory_space<hbm>>
      %dma_wait3A_52 = tpu.memref_squeeze %dma_wait3A_51 : memref<1x16x48x224xi32, #tpu.memory_space<hbm>> -> memref<16x48x224xi32, #tpu.memory_space<hbm>>
      %dma_wait3A_53 = arith.constant 0 : i32
      %dma_wait3A_54 = arith.constant 0 : i32
      %dma_wait3A_55 = tpu.memref_slice %dma_wait3A_52[%arg1, %dma_wait3A_53, %dma_wait3A_54] : memref<16x48x224xi32, #tpu.memory_space<hbm>> -> memref<1x48x224xi32, #tpu.memory_space<hbm>>
      %dma_wait3A_56 = tpu.memref_squeeze %dma_wait3A_55 : memref<1x48x224xi32, #tpu.memory_space<hbm>> -> memref<48x224xi32, #tpu.memory_space<hbm>>
      tpu.wait_dma2 semaphore(%run_scoped3A_21 : memref<!tpu.dma_semaphore, #tpu.memory_space<semaphore_mem>>) src(%dma_wait3A_56 : memref<48x224xi32, #tpu.memory_space<hbm>>) dst(%arg7 : memref<48x224xi32, #tpu.memory_space<vmem>>)
      tpu.yield
    }) : () -> ()
    "tpu.region"() ({
      %run_scoped3A_21 = tpu.sem_alloc : memref<!tpu.dma_semaphore, #tpu.memory_space<semaphore_mem>>
      %dma_start3A_22 = arith.constant 0 : i32
      %dma_start3A_23 = arith.constant 0 : i32
      %dma_start3A_24 = tpu.memref_slice %arg4[%arg1, %dma_start3A_22, %dma_start3A_23] : memref<16x48x224xi32, #tpu.memory_space<hbm>> -> memref<1x48x224xi32, #tpu.memory_space<hbm>>
      %dma_start3A_25 = tpu.memref_squeeze %dma_start3A_24 : memref<1x48x224xi32, #tpu.memory_space<hbm>> -> memref<48x224xi32, #tpu.memory_space<hbm>>
      %dma_start3A_26 = arith.constant 0 : i32
      %dma_start3A_27 = arith.constant 0 : i32
      %dma_start3A_28 = tpu.memref_slice %arg4[%arg1, %dma_start3A_26, %dma_start3A_27] : memref<16x48x224xi32, #tpu.memory_space<hbm>> -> memref<1x48x224xi32, #tpu.memory_space<hbm>>
      %dma_start3A_29 = tpu.memref_squeeze %dma_start3A_28 : memref<1x48x224xi32, #tpu.memory_space<hbm>> -> memref<48x224xi32, #tpu.memory_space<hbm>>
      tpu.enqueue_dma source(%dma_start3A_29 : memref<48x224xi32, #tpu.memory_space<hbm>>) target(%arg8 : memref<48x224xi32, #tpu.memory_space<vmem>>) target_semaphore(%run_scoped3A_21 : memref<!tpu.dma_semaphore, #tpu.memory_space<semaphore_mem>>)
      %dma_wait3A = arith.constant 0 : i32
      %dma_wait3A_30 = arith.constant 0 : i32
      %dma_wait3A_31 = tpu.memref_slice %arg4[%arg1, %dma_wait3A, %dma_wait3A_30] : memref<16x48x224xi32, #tpu.memory_space<hbm>> -> memref<1x48x224xi32, #tpu.memory_space<hbm>>
      %dma_wait3A_32 = tpu.memref_squeeze %dma_wait3A_31 : memref<1x48x224xi32, #tpu.memory_space<hbm>> -> memref<48x224xi32, #tpu.memory_space<hbm>>
      %dma_wait3A_33 = arith.constant 0 : i32
      %dma_wait3A_34 = arith.constant 0 : i32
      %dma_wait3A_35 = tpu.memref_slice %arg4[%arg1, %dma_wait3A_33, %dma_wait3A_34] : memref<16x48x224xi32, #tpu.memory_space<hbm>> -> memref<1x48x224xi32, #tpu.memory_space<hbm>>
      %dma_wait3A_36 = tpu.memref_squeeze %dma_wait3A_35 : memref<1x48x224xi32, #tpu.memory_space<hbm>> -> memref<48x224xi32, #tpu.memory_space<hbm>>
      tpu.wait_dma2 semaphore(%run_scoped3A_21 : memref<!tpu.dma_semaphore, #tpu.memory_space<semaphore_mem>>) src(%dma_wait3A_36 : memref<48x224xi32, #tpu.memory_space<hbm>>) dst(%arg8 : memref<48x224xi32, #tpu.memory_space<vmem>>)
      tpu.yield
    }) : () -> ()
    %run_scoped3A = arith.constant 0 : i32
    "tpu.region"() ({
      %run_scoped3A_21 = tpu.sem_alloc : memref<!tpu.dma_semaphore, #tpu.memory_space<semaphore_mem>>
      %dma_start3A_22 = arith.constant 0 : i32
      %dma_start3A_23 = arith.constant 0 : i32
      %dma_start3A_24 = tpu.memref_slice %arg9[%run_scoped3A, %dma_start3A_22, %dma_start3A_23] : memref<2x224x128xf32, #tpu.memory_space<vmem>> -> memref<1x224x128xf32, #tpu.memory_space<vmem>>
      %dma_start3A_25 = tpu.memref_squeeze %dma_start3A_24 : memref<1x224x128xf32, #tpu.memory_space<vmem>> -> memref<224x128xf32, #tpu.memory_space<vmem>>
      %dma_start3A_26 = arith.constant 0 : i32
      %dma_start3A_27 = arith.constant 0 : i32
      %dma_start3A_28 = tpu.memref_slice %arg9[%run_scoped3A, %dma_start3A_26, %dma_start3A_27] : memref<2x224x128xf32, #tpu.memory_space<vmem>> -> memref<1x224x128xf32, #tpu.memory_space<vmem>>
      %dma_start3A_29 = tpu.memref_squeeze %dma_start3A_28 : memref<1x224x128xf32, #tpu.memory_space<vmem>> -> memref<224x128xf32, #tpu.memory_space<vmem>>
      tpu.enqueue_dma source(%arg5 : memref<224x128xf32, #tpu.memory_space<hbm>>) target(%dma_start3A_29 : memref<224x128xf32, #tpu.memory_space<vmem>>) target_semaphore(%run_scoped3A_21 : memref<!tpu.dma_semaphore, #tpu.memory_space<semaphore_mem>>)
      %dma_wait3A = arith.constant 0 : i32
      %dma_wait3A_30 = arith.constant 0 : i32
      %dma_wait3A_31 = tpu.memref_slice %arg9[%run_scoped3A, %dma_wait3A, %dma_wait3A_30] : memref<2x224x128xf32, #tpu.memory_space<vmem>> -> memref<1x224x128xf32, #tpu.memory_space<vmem>>
      %dma_wait3A_32 = tpu.memref_squeeze %dma_wait3A_31 : memref<1x224x128xf32, #tpu.memory_space<vmem>> -> memref<224x128xf32, #tpu.memory_space<vmem>>
      %dma_wait3A_33 = arith.constant 0 : i32
      %dma_wait3A_34 = arith.constant 0 : i32
      %dma_wait3A_35 = tpu.memref_slice %arg9[%run_scoped3A, %dma_wait3A_33, %dma_wait3A_34] : memref<2x224x128xf32, #tpu.memory_space<vmem>> -> memref<1x224x128xf32, #tpu.memory_space<vmem>>
      %dma_wait3A_36 = tpu.memref_squeeze %dma_wait3A_35 : memref<1x224x128xf32, #tpu.memory_space<vmem>> -> memref<224x128xf32, #tpu.memory_space<vmem>>
      tpu.wait_dma2 semaphore(%run_scoped3A_21 : memref<!tpu.dma_semaphore, #tpu.memory_space<semaphore_mem>>) src(%arg5 : memref<224x128xf32, #tpu.memory_space<hbm>>) dst(%dma_wait3A_36 : memref<224x128xf32, #tpu.memory_space<vmem>>)
      tpu.yield
    }) : () -> ()
    %barrier3A = arith.constant 0 : index
    tpu.barrier barrier_id(%barrier3A)
    %dma_start3A = arith.constant 0 : i32
    %dma_start3A_0 = arith.constant 0 : i32
    %dma_start3A_1 = arith.constant 0 : i32
    %dma_start3A_2 = arith.constant 0 : i32
    %dma_start3A_3 = arith.constant 0 : i32
    %dma_start3A_4 = tpu.memref_slice %arg9[%dma_start3A_0, %dma_start3A_2, %dma_start3A_3] : memref<2x224x128xf32, #tpu.memory_space<vmem>> -> memref<1x224x128xf32, #tpu.memory_space<vmem>>
    %dma_start3A_5 = tpu.memref_squeeze %dma_start3A_4 : memref<1x224x128xf32, #tpu.memory_space<vmem>> -> memref<224x128xf32, #tpu.memory_space<vmem>>
    %dma_start3A_6 = arith.constant 0 : i32
    %dma_start3A_7 = tpu.memref_slice %arg7[%dma_start3A, %dma_start3A_6] : memref<48x224xi32, #tpu.memory_space<vmem>> -> memref<1x224xi32, #tpu.memory_space<vmem>>
    %dma_start3A_8 = tpu.memref_squeeze %dma_start3A_7 : memref<1x224xi32, #tpu.memory_space<vmem>> -> memref<224xi32, #tpu.memory_space<vmem>>
    %dma_start3A_9 = arith.constant 0 : i32
    %dma_start3A_10 = arith.constant 0 : i32
    %dma_start3A_11 = tpu.memref_slice %arg2[%dma_start3A_9, %dma_start3A_10] : memref<20000x128xf32, #tpu.memory_space<hbm>> -> memref<20000x128xf32, #tpu.memory_space<hbm>>
    %dma_start3A_12 = tpu.memref_slice %arg11[%dma_start3A_1] : memref<2x!tpu.dma_semaphore, #tpu.memory_space<semaphore_mem>> -> memref<1x!tpu.dma_semaphore, #tpu.memory_space<semaphore_mem>>
    %dma_start3A_13 = tpu.memref_squeeze %dma_start3A_12 : memref<1x!tpu.dma_semaphore, #tpu.memory_space<semaphore_mem>> -> memref<!tpu.dma_semaphore, #tpu.memory_space<semaphore_mem>>
    tpu.enqueue_indirect_dma source(%dma_start3A_11 : memref<20000x128xf32, #tpu.memory_space<hbm>>) target(%dma_start3A_5 : memref<224x128xf32, #tpu.memory_space<vmem>>) offsets(%dma_start3A_8 : memref<224xi32, #tpu.memory_space<vmem>>) semaphore(%dma_start3A_13 : memref<!tpu.dma_semaphore, #tpu.memory_space<semaphore_mem>>)
    %scan3A = arith.constant 0 : i32
    %scan3A_14 = arith.constant 0 : i32
    %scan3A_15 = arith.constant 24 : i32
    %scan3A_16 = arith.addi %scan3A_14, %scan3A_15 : i32
    %scan3A_17 = arith.constant 1 : i32
    scf.for %scan3A_21 = %scan3A_14 to %scan3A_16 step %scan3A_17  : i32 {
      %mul3A_22 = arith.constant 2 : i32
      %mul3A_23 = arith.muli %mul3A_22, %scan3A_21 : i32
      %add3A = arith.constant 0 : i32
      %add3A_24 = arith.addi %mul3A_23, %add3A : i32
      %add3A_25 = arith.constant 1 : i32
      %add3A_26 = arith.addi %add3A_24, %add3A_25 : i32
      %lt3A = arith.constant 48 : i32
      %lt3A_27 = arith.cmpi slt, %add3A_26, %lt3A : i32
      %convert_element_type3A = arith.extui %lt3A_27 : i1 to i32
      %cond3A = arith.constant 0 : i32
      %cond3A_28 = arith.cmpi ne, %convert_element_type3A, %cond3A : i32
      scf.if %cond3A_28 {
        %add3A_69 = arith.constant 1 : i32
        %add3A_70 = arith.addi %add3A_24, %add3A_69 : i32
        %dma_start3A_71 = arith.constant 1 : i32
        %dma_start3A_72 = arith.constant 1 : i32
        %dma_start3A_73 = arith.constant 0 : i32
        %dma_start3A_74 = arith.constant 0 : i32
        %dma_start3A_75 = tpu.memref_slice %arg9[%dma_start3A_71, %dma_start3A_73, %dma_start3A_74] : memref<2x224x128xf32, #tpu.memory_space<vmem>> -> memref<1x224x128xf32, #tpu.memory_space<vmem>>
        %dma_start3A_76 = tpu.memref_squeeze %dma_start3A_75 : memref<1x224x128xf32, #tpu.memory_space<vmem>> -> memref<224x128xf32, #tpu.memory_space<vmem>>
        %dma_start3A_77 = arith.constant 0 : i32
        %dma_start3A_78 = tpu.memref_slice %arg7[%add3A_70, %dma_start3A_77] : memref<48x224xi32, #tpu.memory_space<vmem>> -> memref<1x224xi32, #tpu.memory_space<vmem>>
        %dma_start3A_79 = tpu.memref_squeeze %dma_start3A_78 : memref<1x224xi32, #tpu.memory_space<vmem>> -> memref<224xi32, #tpu.memory_space<vmem>>
        %dma_start3A_80 = arith.constant 0 : i32
        %dma_start3A_81 = arith.constant 0 : i32
        %dma_start3A_82 = tpu.memref_slice %arg2[%dma_start3A_80, %dma_start3A_81] : memref<20000x128xf32, #tpu.memory_space<hbm>> -> memref<20000x128xf32, #tpu.memory_space<hbm>>
        %dma_start3A_83 = tpu.memref_slice %arg11[%dma_start3A_72] : memref<2x!tpu.dma_semaphore, #tpu.memory_space<semaphore_mem>> -> memref<1x!tpu.dma_semaphore, #tpu.memory_space<semaphore_mem>>
        %dma_start3A_84 = tpu.memref_squeeze %dma_start3A_83 : memref<1x!tpu.dma_semaphore, #tpu.memory_space<semaphore_mem>> -> memref<!tpu.dma_semaphore, #tpu.memory_space<semaphore_mem>>
        tpu.enqueue_indirect_dma source(%dma_start3A_82 : memref<20000x128xf32, #tpu.memory_space<hbm>>) target(%dma_start3A_76 : memref<224x128xf32, #tpu.memory_space<vmem>>) offsets(%dma_start3A_79 : memref<224xi32, #tpu.memory_space<vmem>>) semaphore(%dma_start3A_84 : memref<!tpu.dma_semaphore, #tpu.memory_space<semaphore_mem>>)
      } else {
      }
      %dma_wait3A = arith.constant 0 : i32
      %dma_wait3A_29 = arith.constant 0 : i32
      %dma_wait3A_30 = arith.constant 0 : i32
      %dma_wait3A_31 = arith.constant 0 : i32
      %dma_wait3A_32 = arith.constant 0 : i32
      %dma_wait3A_33 = tpu.memref_slice %arg9[%dma_wait3A_29, %dma_wait3A_31, %dma_wait3A_32] : memref<2x224x128xf32, #tpu.memory_space<vmem>> -> memref<1x224x128xf32, #tpu.memory_space<vmem>>
      %dma_wait3A_34 = tpu.memref_squeeze %dma_wait3A_33 : memref<1x224x128xf32, #tpu.memory_space<vmem>> -> memref<224x128xf32, #tpu.memory_space<vmem>>
      %dma_wait3A_35 = arith.constant 0 : i32
      %dma_wait3A_36 = tpu.memref_slice %arg7[%dma_wait3A, %dma_wait3A_35] : memref<48x224xi32, #tpu.memory_space<vmem>> -> memref<1x224xi32, #tpu.memory_space<vmem>>
      %dma_wait3A_37 = tpu.memref_squeeze %dma_wait3A_36 : memref<1x224xi32, #tpu.memory_space<vmem>> -> memref<224xi32, #tpu.memory_space<vmem>>
      %dma_wait3A_38 = arith.constant 0 : i32
      %dma_wait3A_39 = arith.constant 0 : i32
      %dma_wait3A_40 = tpu.memref_slice %arg2[%dma_wait3A_38, %dma_wait3A_39] : memref<20000x128xf32, #tpu.memory_space<hbm>> -> memref<20000x128xf32, #tpu.memory_space<hbm>>
      %dma_wait3A_41 = tpu.memref_slice %arg11[%dma_wait3A_30] : memref<2x!tpu.dma_semaphore, #tpu.memory_space<semaphore_mem>> -> memref<1x!tpu.dma_semaphore, #tpu.memory_space<semaphore_mem>>
      %dma_wait3A_42 = tpu.memref_squeeze %dma_wait3A_41 : memref<1x!tpu.dma_semaphore, #tpu.memory_space<semaphore_mem>> -> memref<!tpu.dma_semaphore, #tpu.memory_space<semaphore_mem>>
      tpu.wait_indirect_dma semaphore(%dma_wait3A_42 : memref<!tpu.dma_semaphore, #tpu.memory_space<semaphore_mem>>) src(%dma_wait3A_40 : memref<20000x128xf32, #tpu.memory_space<hbm>>) dst(%dma_wait3A_34 : memref<224x128xf32, #tpu.memory_space<vmem>>)
      %mul3A_43 = arith.constant 2 : i32
      %mul3A_44 = arith.muli %mul3A_43, %scan3A_21 : i32
      %add3A_45 = arith.constant 1 : i32
      %add3A_46 = arith.addi %mul3A_44, %add3A_45 : i32
      %add3A_47 = arith.constant 1 : i32
      %add3A_48 = arith.addi %add3A_46, %add3A_47 : i32
      %lt3A_49 = arith.constant 48 : i32
      %lt3A_50 = arith.cmpi slt, %add3A_48, %lt3A_49 : i32
      %convert_element_type3A_51 = arith.extui %lt3A_50 : i1 to i32
      %cond3A_52 = arith.constant 0 : i32
      %cond3A_53 = arith.cmpi ne, %convert_element_type3A_51, %cond3A_52 : i32
      scf.if %cond3A_53 {
        %add3A_69 = arith.constant 1 : i32
        %add3A_70 = arith.addi %add3A_46, %add3A_69 : i32
        %dma_start3A_71 = arith.constant 0 : i32
        %dma_start3A_72 = arith.constant 0 : i32
        %dma_start3A_73 = arith.constant 0 : i32
        %dma_start3A_74 = arith.constant 0 : i32
        %dma_start3A_75 = tpu.memref_slice %arg9[%dma_start3A_71, %dma_start3A_73, %dma_start3A_74] : memref<2x224x128xf32, #tpu.memory_space<vmem>> -> memref<1x224x128xf32, #tpu.memory_space<vmem>>
        %dma_start3A_76 = tpu.memref_squeeze %dma_start3A_75 : memref<1x224x128xf32, #tpu.memory_space<vmem>> -> memref<224x128xf32, #tpu.memory_space<vmem>>
        %dma_start3A_77 = arith.constant 0 : i32
        %dma_start3A_78 = tpu.memref_slice %arg7[%add3A_70, %dma_start3A_77] : memref<48x224xi32, #tpu.memory_space<vmem>> -> memref<1x224xi32, #tpu.memory_space<vmem>>
        %dma_start3A_79 = tpu.memref_squeeze %dma_start3A_78 : memref<1x224xi32, #tpu.memory_space<vmem>> -> memref<224xi32, #tpu.memory_space<vmem>>
        %dma_start3A_80 = arith.constant 0 : i32
        %dma_start3A_81 = arith.constant 0 : i32
        %dma_start3A_82 = tpu.memref_slice %arg2[%dma_start3A_80, %dma_start3A_81] : memref<20000x128xf32, #tpu.memory_space<hbm>> -> memref<20000x128xf32, #tpu.memory_space<hbm>>
        %dma_start3A_83 = tpu.memref_slice %arg11[%dma_start3A_72] : memref<2x!tpu.dma_semaphore, #tpu.memory_space<semaphore_mem>> -> memref<1x!tpu.dma_semaphore, #tpu.memory_space<semaphore_mem>>
        %dma_start3A_84 = tpu.memref_squeeze %dma_start3A_83 : memref<1x!tpu.dma_semaphore, #tpu.memory_space<semaphore_mem>> -> memref<!tpu.dma_semaphore, #tpu.memory_space<semaphore_mem>>
        tpu.enqueue_indirect_dma source(%dma_start3A_82 : memref<20000x128xf32, #tpu.memory_space<hbm>>) target(%dma_start3A_76 : memref<224x128xf32, #tpu.memory_space<vmem>>) offsets(%dma_start3A_79 : memref<224xi32, #tpu.memory_space<vmem>>) semaphore(%dma_start3A_84 : memref<!tpu.dma_semaphore, #tpu.memory_space<semaphore_mem>>)
      } else {
      }
      %dma_wait3A_54 = arith.constant 0 : i32
      %dma_wait3A_55 = arith.constant 1 : i32
      %dma_wait3A_56 = arith.constant 1 : i32
      %dma_wait3A_57 = arith.constant 0 : i32
      %dma_wait3A_58 = arith.constant 0 : i32
      %dma_wait3A_59 = tpu.memref_slice %arg9[%dma_wait3A_55, %dma_wait3A_57, %dma_wait3A_58] : memref<2x224x128xf32, #tpu.memory_space<vmem>> -> memref<1x224x128xf32, #tpu.memory_space<vmem>>
      %dma_wait3A_60 = tpu.memref_squeeze %dma_wait3A_59 : memref<1x224x128xf32, #tpu.memory_space<vmem>> -> memref<224x128xf32, #tpu.memory_space<vmem>>
      %dma_wait3A_61 = arith.constant 0 : i32
      %dma_wait3A_62 = tpu.memref_slice %arg7[%dma_wait3A_54, %dma_wait3A_61] : memref<48x224xi32, #tpu.memory_space<vmem>> -> memref<1x224xi32, #tpu.memory_space<vmem>>
      %dma_wait3A_63 = tpu.memref_squeeze %dma_wait3A_62 : memref<1x224xi32, #tpu.memory_space<vmem>> -> memref<224xi32, #tpu.memory_space<vmem>>
      %dma_wait3A_64 = arith.constant 0 : i32
      %dma_wait3A_65 = arith.constant 0 : i32
      %dma_wait3A_66 = tpu.memref_slice %arg2[%dma_wait3A_64, %dma_wait3A_65] : memref<20000x128xf32, #tpu.memory_space<hbm>> -> memref<20000x128xf32, #tpu.memory_space<hbm>>
      %dma_wait3A_67 = tpu.memref_slice %arg11[%dma_wait3A_56] : memref<2x!tpu.dma_semaphore, #tpu.memory_space<semaphore_mem>> -> memref<1x!tpu.dma_semaphore, #tpu.memory_space<semaphore_mem>>
      %dma_wait3A_68 = tpu.memref_squeeze %dma_wait3A_67 : memref<1x!tpu.dma_semaphore, #tpu.memory_space<semaphore_mem>> -> memref<!tpu.dma_semaphore, #tpu.memory_space<semaphore_mem>>
      tpu.wait_indirect_dma semaphore(%dma_wait3A_68 : memref<!tpu.dma_semaphore, #tpu.memory_space<semaphore_mem>>) src(%dma_wait3A_66 : memref<20000x128xf32, #tpu.memory_space<hbm>>) dst(%dma_wait3A_60 : memref<224x128xf32, #tpu.memory_space<vmem>>)
    }
    %scan3A_18 = arith.constant 24 : i32
    %barrier3A_19 = arith.constant 0 : index
    tpu.barrier barrier_id(%barrier3A_19)
    %mul3A = arith.constant 625 : i32
    %mul3A_20 = arith.muli %arg1, %mul3A : i32
    "tpu.region"() ({
      %run_scoped3A_21 = tpu.sem_alloc : memref<!tpu.dma_semaphore, #tpu.memory_space<semaphore_mem>>
      %dma_start3A_22 = arith.constant 0 : i32
      %dma_start3A_23 = arith.constant 0 : i32
      %dma_start3A_24 = tpu.memref_slice %arg6[%arg0, %dma_start3A_22, %dma_start3A_23] : memref<2x10000x128xf32, #tpu.memory_space<hbm>> -> memref<1x10000x128xf32, #tpu.memory_space<hbm>>
      %dma_start3A_25 = tpu.memref_squeeze %dma_start3A_24 : memref<1x10000x128xf32, #tpu.memory_space<hbm>> -> memref<10000x128xf32, #tpu.memory_space<hbm>>
      %dma_start3A_26 = arith.constant 0 : i32
      %dma_start3A_27 = tpu.memref_slice %dma_start3A_25[%mul3A_20, %dma_start3A_26] : memref<10000x128xf32, #tpu.memory_space<hbm>> -> memref<625x128xf32, #tpu.memory_space<hbm>>
      %dma_start3A_28 = arith.constant 0 : i32
      %dma_start3A_29 = arith.constant 0 : i32
      %dma_start3A_30 = tpu.memref_slice %arg10[%dma_start3A_28, %dma_start3A_29] : memref<512x128xf32, #tpu.memory_space<vmem_shared>> -> memref<625x128xf32, #tpu.memory_space<vmem_shared>>
      tpu.enqueue_dma source(%dma_start3A_30 : memref<625x128xf32, #tpu.memory_space<vmem_shared>>) target(%dma_start3A_27 : memref<625x128xf32, #tpu.memory_space<hbm>>) target_semaphore(%run_scoped3A_21 : memref<!tpu.dma_semaphore, #tpu.memory_space<semaphore_mem>>)
      %dma_wait3A = arith.constant 0 : i32
      %dma_wait3A_31 = arith.constant 0 : i32
      %dma_wait3A_32 = tpu.memref_slice %arg6[%arg0, %dma_wait3A, %dma_wait3A_31] : memref<2x10000x128xf32, #tpu.memory_space<hbm>> -> memref<1x10000x128xf32, #tpu.memory_space<hbm>>
      %dma_wait3A_33 = tpu.memref_squeeze %dma_wait3A_32 : memref<1x10000x128xf32, #tpu.memory_space<hbm>> -> memref<10000x128xf32, #tpu.memory_space<hbm>>
      %dma_wait3A_34 = arith.constant 0 : i32
      %dma_wait3A_35 = tpu.memref_slice %dma_wait3A_33[%mul3A_20, %dma_wait3A_34] : memref<10000x128xf32, #tpu.memory_space<hbm>> -> memref<625x128xf32, #tpu.memory_space<hbm>>
      %dma_wait3A_36 = arith.constant 0 : i32
      %dma_wait3A_37 = arith.constant 0 : i32
      %dma_wait3A_38 = tpu.memref_slice %arg10[%dma_wait3A_36, %dma_wait3A_37] : memref<512x128xf32, #tpu.memory_space<vmem_shared>> -> memref<625x128xf32, #tpu.memory_space<vmem_shared>>
      tpu.wait_dma2 semaphore(%run_scoped3A_21 : memref<!tpu.dma_semaphore, #tpu.memory_space<semaphore_mem>>) src(%dma_wait3A_38 : memref<625x128xf32, #tpu.memory_space<vmem_shared>>) dst(%dma_wait3A_35 : memref<625x128xf32, #tpu.memory_space<hbm>>)
      tpu.yield
    }) : () -> ()
    return
  }
}

#map = affine_map<(d0, d1) -> (0, 0)>
#map1 = affine_map<(d0, d1) -> (0, 0, 0, 0)>
#map2 = affine_map<(d0, d1) -> (0, 0, 0)>
module attributes {stable_mosaic.version = 14 : i64} {
  func.func @_sc_agg_body(%arg0: i32, %arg1: i32, %arg2: memref<20000x128xf32, #tpu.memory_space<hbm>>, %arg3: memref<2x16x48x224xi32, #tpu.memory_space<hbm>>, %arg4: memref<16x48x224xi32, #tpu.memory_space<hbm>>, %arg5: memref<224x128xf32, #tpu.memory_space<hbm>>, %arg6: memref<2x10000x128xf32, #tpu.memory_space<hbm>>, %arg7: memref<48x224xi32, #tpu.memory_space<vmem>>, %arg8: memref<48x224xi32, #tpu.memory_space<vmem>>, %arg9: memref<2x224x128xf32, #tpu.memory_space<vmem>>, %arg10: memref<512x128xf32, #tpu.memory_space<vmem_shared>>, %arg11: memref<2x!tpu.dma_semaphore, #tpu.memory_space<semaphore_mem>>, %arg12: memref<2x!tpu.dma_semaphore, #tpu.memory_space<semaphore_mem>>, %arg13: memref<2x!tpu.dma_semaphore, #tpu.memory_space<semaphore_mem>>) attributes {dimension_semantics = [#tpu.dimension_semantics<core_parallel>, #tpu.dimension_semantics<subcore_parallel>], iteration_bounds = array<i64: 2, 16>, scalar_prefetch = 0 : i64, scratch_operands = 7 : i64, tpu.core_type = #tpu.core_type<sc_vector_subcore>, window_params = [{transform_indices = #map}, {transform_indices = #map1}, {transform_indices = #map2}, {transform_indices = #map}, {transform_indices = #map2}]} {
    "tpu.region"() ({
      %run_scoped3A_21 = tpu.sem_alloc : memref<!tpu.dma_semaphore, #tpu.memory_space<semaphore_mem>>
      %dma_start3A_22 = arith.constant 0 : i32
      %dma_start3A_23 = arith.constant 0 : i32
      %dma_start3A_24 = arith.constant 0 : i32
      %dma_start3A_25 = tpu.memref_slice %arg3[%arg0, %dma_start3A_22, %dma_start3A_23, %dma_start3A_24] : memref<2x16x48x224xi32, #tpu.memory_space<hbm>> -> memref<1x16x48x224xi32, #tpu.memory_space<hbm>>
      %dma_start3A_26 = tpu.memref_squeeze %dma_start3A_25 : memref<1x16x48x224xi32, #tpu.memory_space<hbm>> -> memref<16x48x224xi32, #tpu.memory_space<hbm>>
      %dma_start3A_27 = arith.constant 0 : i32
      %dma_start3A_28 = arith.constant 0 : i32
      %dma_start3A_29 = tpu.memref_slice %dma_start3A_26[%arg1, %dma_start3A_27, %dma_start3A_28] : memref<16x48x224xi32, #tpu.memory_space<hbm>> -> memref<1x48x224xi32, #tpu.memory_space<hbm>>
      %dma_start3A_30 = tpu.memref_squeeze %dma_start3A_29 : memref<1x48x224xi32, #tpu.memory_space<hbm>> -> memref<48x224xi32, #tpu.memory_space<hbm>>
      %dma_start3A_31 = arith.constant 0 : i32
      %dma_start3A_32 = arith.constant 0 : i32
      %dma_start3A_33 = arith.constant 0 : i32
      %dma_start3A_34 = tpu.memref_slice %arg3[%arg0, %dma_start3A_31, %dma_start3A_32, %dma_start3A_33] : memref<2x16x48x224xi32, #tpu.memory_space<hbm>> -> memref<1x16x48x224xi32, #tpu.memory_space<hbm>>
      %dma_start3A_35 = tpu.memref_squeeze %dma_start3A_34 : memref<1x16x48x224xi32, #tpu.memory_space<hbm>> -> memref<16x48x224xi32, #tpu.memory_space<hbm>>
      %dma_start3A_36 = arith.constant 0 : i32
      %dma_start3A_37 = arith.constant 0 : i32
      %dma_start3A_38 = tpu.memref_slice %dma_start3A_35[%arg1, %dma_start3A_36, %dma_start3A_37] : memref<16x48x224xi32, #tpu.memory_space<hbm>> -> memref<1x48x224xi32, #tpu.memory_space<hbm>>
      %dma_start3A_39 = tpu.memref_squeeze %dma_start3A_38 : memref<1x48x224xi32, #tpu.memory_space<hbm>> -> memref<48x224xi32, #tpu.memory_space<hbm>>
      tpu.enqueue_dma source(%dma_start3A_39 : memref<48x224xi32, #tpu.memory_space<hbm>>) target(%arg7 : memref<48x224xi32, #tpu.memory_space<vmem>>) target_semaphore(%run_scoped3A_21 : memref<!tpu.dma_semaphore, #tpu.memory_space<semaphore_mem>>)
      %dma_wait3A = arith.constant 0 : i32
      %dma_wait3A_40 = arith.constant 0 : i32
      %dma_wait3A_41 = arith.constant 0 : i32
      %dma_wait3A_42 = tpu.memref_slice %arg3[%arg0, %dma_wait3A, %dma_wait3A_40, %dma_wait3A_41] : memref<2x16x48x224xi32, #tpu.memory_space<hbm>> -> memref<1x16x48x224xi32, #tpu.memory_space<hbm>>
      %dma_wait3A_43 = tpu.memref_squeeze %dma_wait3A_42 : memref<1x16x48x224xi32, #tpu.memory_space<hbm>> -> memref<16x48x224xi32, #tpu.memory_space<hbm>>
      %dma_wait3A_44 = arith.constant 0 : i32
      %dma_wait3A_45 = arith.constant 0 : i32
      %dma_wait3A_46 = tpu.memref_slice %dma_wait3A_43[%arg1, %dma_wait3A_44, %dma_wait3A_45] : memref<16x48x224xi32, #tpu.memory_space<hbm>> -> memref<1x48x224xi32, #tpu.memory_space<hbm>>
      %dma_wait3A_47 = tpu.memref_squeeze %dma_wait3A_46 : memref<1x48x224xi32, #tpu.memory_space<hbm>> -> memref<48x224xi32, #tpu.memory_space<hbm>>
      %dma_wait3A_48 = arith.constant 0 : i32
      %dma_wait3A_49 = arith.constant 0 : i32
      %dma_wait3A_50 = arith.constant 0 : i32
      %dma_wait3A_51 = tpu.memref_slice %arg3[%arg0, %dma_wait3A_48, %dma_wait3A_49, %dma_wait3A_50] : memref<2x16x48x224xi32, #tpu.memory_space<hbm>> -> memref<1x16x48x224xi32, #tpu.memory_space<hbm>>
      %dma_wait3A_52 = tpu.memref_squeeze %dma_wait3A_51 : memref<1x16x48x224xi32, #tpu.memory_space<hbm>> -> memref<16x48x224xi32, #tpu.memory_space<hbm>>
      %dma_wait3A_53 = arith.constant 0 : i32
      %dma_wait3A_54 = arith.constant 0 : i32
      %dma_wait3A_55 = tpu.memref_slice %dma_wait3A_52[%arg1, %dma_wait3A_53, %dma_wait3A_54] : memref<16x48x224xi32, #tpu.memory_space<hbm>> -> memref<1x48x224xi32, #tpu.memory_space<hbm>>
      %dma_wait3A_56 = tpu.memref_squeeze %dma_wait3A_55 : memref<1x48x224xi32, #tpu.memory_space<hbm>> -> memref<48x224xi32, #tpu.memory_space<hbm>>
      tpu.wait_dma2 semaphore(%run_scoped3A_21 : memref<!tpu.dma_semaphore, #tpu.memory_space<semaphore_mem>>) src(%dma_wait3A_56 : memref<48x224xi32, #tpu.memory_space<hbm>>) dst(%arg7 : memref<48x224xi32, #tpu.memory_space<vmem>>)
      tpu.yield
    }) : () -> ()
    "tpu.region"() ({
      %run_scoped3A_21 = tpu.sem_alloc : memref<!tpu.dma_semaphore, #tpu.memory_space<semaphore_mem>>
      %dma_start3A_22 = arith.constant 0 : i32
      %dma_start3A_23 = arith.constant 0 : i32
      %dma_start3A_24 = tpu.memref_slice %arg4[%arg1, %dma_start3A_22, %dma_start3A_23] : memref<16x48x224xi32, #tpu.memory_space<hbm>> -> memref<1x48x224xi32, #tpu.memory_space<hbm>>
      %dma_start3A_25 = tpu.memref_squeeze %dma_start3A_24 : memref<1x48x224xi32, #tpu.memory_space<hbm>> -> memref<48x224xi32, #tpu.memory_space<hbm>>
      %dma_start3A_26 = arith.constant 0 : i32
      %dma_start3A_27 = arith.constant 0 : i32
      %dma_start3A_28 = tpu.memref_slice %arg4[%arg1, %dma_start3A_26, %dma_start3A_27] : memref<16x48x224xi32, #tpu.memory_space<hbm>> -> memref<1x48x224xi32, #tpu.memory_space<hbm>>
      %dma_start3A_29 = tpu.memref_squeeze %dma_start3A_28 : memref<1x48x224xi32, #tpu.memory_space<hbm>> -> memref<48x224xi32, #tpu.memory_space<hbm>>
      tpu.enqueue_dma source(%dma_start3A_29 : memref<48x224xi32, #tpu.memory_space<hbm>>) target(%arg8 : memref<48x224xi32, #tpu.memory_space<vmem>>) target_semaphore(%run_scoped3A_21 : memref<!tpu.dma_semaphore, #tpu.memory_space<semaphore_mem>>)
      %dma_wait3A = arith.constant 0 : i32
      %dma_wait3A_30 = arith.constant 0 : i32
      %dma_wait3A_31 = tpu.memref_slice %arg4[%arg1, %dma_wait3A, %dma_wait3A_30] : memref<16x48x224xi32, #tpu.memory_space<hbm>> -> memref<1x48x224xi32, #tpu.memory_space<hbm>>
      %dma_wait3A_32 = tpu.memref_squeeze %dma_wait3A_31 : memref<1x48x224xi32, #tpu.memory_space<hbm>> -> memref<48x224xi32, #tpu.memory_space<hbm>>
      %dma_wait3A_33 = arith.constant 0 : i32
      %dma_wait3A_34 = arith.constant 0 : i32
      %dma_wait3A_35 = tpu.memref_slice %arg4[%arg1, %dma_wait3A_33, %dma_wait3A_34] : memref<16x48x224xi32, #tpu.memory_space<hbm>> -> memref<1x48x224xi32, #tpu.memory_space<hbm>>
      %dma_wait3A_36 = tpu.memref_squeeze %dma_wait3A_35 : memref<1x48x224xi32, #tpu.memory_space<hbm>> -> memref<48x224xi32, #tpu.memory_space<hbm>>
      tpu.wait_dma2 semaphore(%run_scoped3A_21 : memref<!tpu.dma_semaphore, #tpu.memory_space<semaphore_mem>>) src(%dma_wait3A_36 : memref<48x224xi32, #tpu.memory_space<hbm>>) dst(%arg8 : memref<48x224xi32, #tpu.memory_space<vmem>>)
      tpu.yield
    }) : () -> ()
    %run_scoped3A = arith.constant 0 : i32
    "tpu.region"() ({
      %run_scoped3A_21 = tpu.sem_alloc : memref<!tpu.dma_semaphore, #tpu.memory_space<semaphore_mem>>
      %dma_start3A_22 = arith.constant 0 : i32
      %dma_start3A_23 = arith.constant 0 : i32
      %dma_start3A_24 = tpu.memref_slice %arg9[%run_scoped3A, %dma_start3A_22, %dma_start3A_23] : memref<2x224x128xf32, #tpu.memory_space<vmem>> -> memref<1x224x128xf32, #tpu.memory_space<vmem>>
      %dma_start3A_25 = tpu.memref_squeeze %dma_start3A_24 : memref<1x224x128xf32, #tpu.memory_space<vmem>> -> memref<224x128xf32, #tpu.memory_space<vmem>>
      %dma_start3A_26 = arith.constant 0 : i32
      %dma_start3A_27 = arith.constant 0 : i32
      %dma_start3A_28 = tpu.memref_slice %arg9[%run_scoped3A, %dma_start3A_26, %dma_start3A_27] : memref<2x224x128xf32, #tpu.memory_space<vmem>> -> memref<1x224x128xf32, #tpu.memory_space<vmem>>
      %dma_start3A_29 = tpu.memref_squeeze %dma_start3A_28 : memref<1x224x128xf32, #tpu.memory_space<vmem>> -> memref<224x128xf32, #tpu.memory_space<vmem>>
      tpu.enqueue_dma source(%arg5 : memref<224x128xf32, #tpu.memory_space<hbm>>) target(%dma_start3A_29 : memref<224x128xf32, #tpu.memory_space<vmem>>) target_semaphore(%run_scoped3A_21 : memref<!tpu.dma_semaphore, #tpu.memory_space<semaphore_mem>>)
      %dma_wait3A = arith.constant 0 : i32
      %dma_wait3A_30 = arith.constant 0 : i32
      %dma_wait3A_31 = tpu.memref_slice %arg9[%run_scoped3A, %dma_wait3A, %dma_wait3A_30] : memref<2x224x128xf32, #tpu.memory_space<vmem>> -> memref<1x224x128xf32, #tpu.memory_space<vmem>>
      %dma_wait3A_32 = tpu.memref_squeeze %dma_wait3A_31 : memref<1x224x128xf32, #tpu.memory_space<vmem>> -> memref<224x128xf32, #tpu.memory_space<vmem>>
      %dma_wait3A_33 = arith.constant 0 : i32
      %dma_wait3A_34 = arith.constant 0 : i32
      %dma_wait3A_35 = tpu.memref_slice %arg9[%run_scoped3A, %dma_wait3A_33, %dma_wait3A_34] : memref<2x224x128xf32, #tpu.memory_space<vmem>> -> memref<1x224x128xf32, #tpu.memory_space<vmem>>
      %dma_wait3A_36 = tpu.memref_squeeze %dma_wait3A_35 : memref<1x224x128xf32, #tpu.memory_space<vmem>> -> memref<224x128xf32, #tpu.memory_space<vmem>>
      tpu.wait_dma2 semaphore(%run_scoped3A_21 : memref<!tpu.dma_semaphore, #tpu.memory_space<semaphore_mem>>) src(%arg5 : memref<224x128xf32, #tpu.memory_space<hbm>>) dst(%dma_wait3A_36 : memref<224x128xf32, #tpu.memory_space<vmem>>)
      tpu.yield
    }) : () -> ()
    %barrier3A = arith.constant 0 : index
    tpu.barrier barrier_id(%barrier3A)
    %dma_start3A = arith.constant 0 : i32
    %dma_start3A_0 = arith.constant 0 : i32
    %dma_start3A_1 = arith.constant 0 : i32
    %dma_start3A_2 = arith.constant 0 : i32
    %dma_start3A_3 = arith.constant 0 : i32
    %dma_start3A_4 = tpu.memref_slice %arg9[%dma_start3A_0, %dma_start3A_2, %dma_start3A_3] : memref<2x224x128xf32, #tpu.memory_space<vmem>> -> memref<1x224x128xf32, #tpu.memory_space<vmem>>
    %dma_start3A_5 = tpu.memref_squeeze %dma_start3A_4 : memref<1x224x128xf32, #tpu.memory_space<vmem>> -> memref<224x128xf32, #tpu.memory_space<vmem>>
    %dma_start3A_6 = arith.constant 0 : i32
    %dma_start3A_7 = tpu.memref_slice %arg7[%dma_start3A, %dma_start3A_6] : memref<48x224xi32, #tpu.memory_space<vmem>> -> memref<1x224xi32, #tpu.memory_space<vmem>>
    %dma_start3A_8 = tpu.memref_squeeze %dma_start3A_7 : memref<1x224xi32, #tpu.memory_space<vmem>> -> memref<224xi32, #tpu.memory_space<vmem>>
    %dma_start3A_9 = arith.constant 0 : i32
    %dma_start3A_10 = arith.constant 0 : i32
    %dma_start3A_11 = tpu.memref_slice %arg2[%dma_start3A_9, %dma_start3A_10] : memref<20000x128xf32, #tpu.memory_space<hbm>> -> memref<20000x128xf32, #tpu.memory_space<hbm>>
    %dma_start3A_12 = tpu.memref_slice %arg11[%dma_start3A_1] : memref<2x!tpu.dma_semaphore, #tpu.memory_space<semaphore_mem>> -> memref<1x!tpu.dma_semaphore, #tpu.memory_space<semaphore_mem>>
    %dma_start3A_13 = tpu.memref_squeeze %dma_start3A_12 : memref<1x!tpu.dma_semaphore, #tpu.memory_space<semaphore_mem>> -> memref<!tpu.dma_semaphore, #tpu.memory_space<semaphore_mem>>
    tpu.enqueue_indirect_dma source(%dma_start3A_11 : memref<20000x128xf32, #tpu.memory_space<hbm>>) target(%dma_start3A_5 : memref<224x128xf32, #tpu.memory_space<vmem>>) offsets(%dma_start3A_8 : memref<224xi32, #tpu.memory_space<vmem>>) semaphore(%dma_start3A_13 : memref<!tpu.dma_semaphore, #tpu.memory_space<semaphore_mem>>)
    %scan3A = arith.constant 0 : i32
    %scan3A_14 = arith.constant 0 : i32
    %scan3A_15 = arith.constant 24 : i32
    %scan3A_16 = arith.addi %scan3A_14, %scan3A_15 : i32
    %scan3A_17 = arith.constant 1 : i32
    scf.for %scan3A_21 = %scan3A_14 to %scan3A_16 step %scan3A_17  : i32 {
      %mul3A_22 = arith.constant 2 : i32
      %mul3A_23 = arith.muli %mul3A_22, %scan3A_21 : i32
      %add3A = arith.constant 0 : i32
      %add3A_24 = arith.addi %mul3A_23, %add3A : i32
      %add3A_25 = arith.constant 1 : i32
      %add3A_26 = arith.addi %add3A_24, %add3A_25 : i32
      %lt3A = arith.constant 48 : i32
      %lt3A_27 = arith.cmpi slt, %add3A_26, %lt3A : i32
      %convert_element_type3A = arith.extui %lt3A_27 : i1 to i32
      %cond3A = arith.constant 0 : i32
      %cond3A_28 = arith.cmpi ne, %convert_element_type3A, %cond3A : i32
      scf.if %cond3A_28 {
        %add3A_69 = arith.constant 1 : i32
        %add3A_70 = arith.addi %add3A_24, %add3A_69 : i32
        %dma_start3A_71 = arith.constant 1 : i32
        %dma_start3A_72 = arith.constant 1 : i32
        %dma_start3A_73 = arith.constant 0 : i32
        %dma_start3A_74 = arith.constant 0 : i32
        %dma_start3A_75 = tpu.memref_slice %arg9[%dma_start3A_71, %dma_start3A_73, %dma_start3A_74] : memref<2x224x128xf32, #tpu.memory_space<vmem>> -> memref<1x224x128xf32, #tpu.memory_space<vmem>>
        %dma_start3A_76 = tpu.memref_squeeze %dma_start3A_75 : memref<1x224x128xf32, #tpu.memory_space<vmem>> -> memref<224x128xf32, #tpu.memory_space<vmem>>
        %dma_start3A_77 = arith.constant 0 : i32
        %dma_start3A_78 = tpu.memref_slice %arg7[%add3A_70, %dma_start3A_77] : memref<48x224xi32, #tpu.memory_space<vmem>> -> memref<1x224xi32, #tpu.memory_space<vmem>>
        %dma_start3A_79 = tpu.memref_squeeze %dma_start3A_78 : memref<1x224xi32, #tpu.memory_space<vmem>> -> memref<224xi32, #tpu.memory_space<vmem>>
        %dma_start3A_80 = arith.constant 0 : i32
        %dma_start3A_81 = arith.constant 0 : i32
        %dma_start3A_82 = tpu.memref_slice %arg2[%dma_start3A_80, %dma_start3A_81] : memref<20000x128xf32, #tpu.memory_space<hbm>> -> memref<20000x128xf32, #tpu.memory_space<hbm>>
        %dma_start3A_83 = tpu.memref_slice %arg11[%dma_start3A_72] : memref<2x!tpu.dma_semaphore, #tpu.memory_space<semaphore_mem>> -> memref<1x!tpu.dma_semaphore, #tpu.memory_space<semaphore_mem>>
        %dma_start3A_84 = tpu.memref_squeeze %dma_start3A_83 : memref<1x!tpu.dma_semaphore, #tpu.memory_space<semaphore_mem>> -> memref<!tpu.dma_semaphore, #tpu.memory_space<semaphore_mem>>
        tpu.enqueue_indirect_dma source(%dma_start3A_82 : memref<20000x128xf32, #tpu.memory_space<hbm>>) target(%dma_start3A_76 : memref<224x128xf32, #tpu.memory_space<vmem>>) offsets(%dma_start3A_79 : memref<224xi32, #tpu.memory_space<vmem>>) semaphore(%dma_start3A_84 : memref<!tpu.dma_semaphore, #tpu.memory_space<semaphore_mem>>)
      } else {
      }
      %dma_wait3A = arith.constant 0 : i32
      %dma_wait3A_29 = arith.constant 0 : i32
      %dma_wait3A_30 = arith.constant 0 : i32
      %dma_wait3A_31 = arith.constant 0 : i32
      %dma_wait3A_32 = arith.constant 0 : i32
      %dma_wait3A_33 = tpu.memref_slice %arg9[%dma_wait3A_29, %dma_wait3A_31, %dma_wait3A_32] : memref<2x224x128xf32, #tpu.memory_space<vmem>> -> memref<1x224x128xf32, #tpu.memory_space<vmem>>
      %dma_wait3A_34 = tpu.memref_squeeze %dma_wait3A_33 : memref<1x224x128xf32, #tpu.memory_space<vmem>> -> memref<224x128xf32, #tpu.memory_space<vmem>>
      %dma_wait3A_35 = arith.constant 0 : i32
      %dma_wait3A_36 = tpu.memref_slice %arg7[%dma_wait3A, %dma_wait3A_35] : memref<48x224xi32, #tpu.memory_space<vmem>> -> memref<1x224xi32, #tpu.memory_space<vmem>>
      %dma_wait3A_37 = tpu.memref_squeeze %dma_wait3A_36 : memref<1x224xi32, #tpu.memory_space<vmem>> -> memref<224xi32, #tpu.memory_space<vmem>>
      %dma_wait3A_38 = arith.constant 0 : i32
      %dma_wait3A_39 = arith.constant 0 : i32
      %dma_wait3A_40 = tpu.memref_slice %arg2[%dma_wait3A_38, %dma_wait3A_39] : memref<20000x128xf32, #tpu.memory_space<hbm>> -> memref<20000x128xf32, #tpu.memory_space<hbm>>
      %dma_wait3A_41 = tpu.memref_slice %arg11[%dma_wait3A_30] : memref<2x!tpu.dma_semaphore, #tpu.memory_space<semaphore_mem>> -> memref<1x!tpu.dma_semaphore, #tpu.memory_space<semaphore_mem>>
      %dma_wait3A_42 = tpu.memref_squeeze %dma_wait3A_41 : memref<1x!tpu.dma_semaphore, #tpu.memory_space<semaphore_mem>> -> memref<!tpu.dma_semaphore, #tpu.memory_space<semaphore_mem>>
      tpu.wait_indirect_dma semaphore(%dma_wait3A_42 : memref<!tpu.dma_semaphore, #tpu.memory_space<semaphore_mem>>) src(%dma_wait3A_40 : memref<20000x128xf32, #tpu.memory_space<hbm>>) dst(%dma_wait3A_34 : memref<224x128xf32, #tpu.memory_space<vmem>>)
      %mul3A_43 = arith.constant 2 : i32
      %mul3A_44 = arith.muli %mul3A_43, %scan3A_21 : i32
      %add3A_45 = arith.constant 1 : i32
      %add3A_46 = arith.addi %mul3A_44, %add3A_45 : i32
      %add3A_47 = arith.constant 1 : i32
      %add3A_48 = arith.addi %add3A_46, %add3A_47 : i32
      %lt3A_49 = arith.constant 48 : i32
      %lt3A_50 = arith.cmpi slt, %add3A_48, %lt3A_49 : i32
      %convert_element_type3A_51 = arith.extui %lt3A_50 : i1 to i32
      %cond3A_52 = arith.constant 0 : i32
      %cond3A_53 = arith.cmpi ne, %convert_element_type3A_51, %cond3A_52 : i32
      scf.if %cond3A_53 {
        %add3A_69 = arith.constant 1 : i32
        %add3A_70 = arith.addi %add3A_46, %add3A_69 : i32
        %dma_start3A_71 = arith.constant 0 : i32
        %dma_start3A_72 = arith.constant 0 : i32
        %dma_start3A_73 = arith.constant 0 : i32
        %dma_start3A_74 = arith.constant 0 : i32
        %dma_start3A_75 = tpu.memref_slice %arg9[%dma_start3A_71, %dma_start3A_73, %dma_start3A_74] : memref<2x224x128xf32, #tpu.memory_space<vmem>> -> memref<1x224x128xf32, #tpu.memory_space<vmem>>
        %dma_start3A_76 = tpu.memref_squeeze %dma_start3A_75 : memref<1x224x128xf32, #tpu.memory_space<vmem>> -> memref<224x128xf32, #tpu.memory_space<vmem>>
        %dma_start3A_77 = arith.constant 0 : i32
        %dma_start3A_78 = tpu.memref_slice %arg7[%add3A_70, %dma_start3A_77] : memref<48x224xi32, #tpu.memory_space<vmem>> -> memref<1x224xi32, #tpu.memory_space<vmem>>
        %dma_start3A_79 = tpu.memref_squeeze %dma_start3A_78 : memref<1x224xi32, #tpu.memory_space<vmem>> -> memref<224xi32, #tpu.memory_space<vmem>>
        %dma_start3A_80 = arith.constant 0 : i32
        %dma_start3A_81 = arith.constant 0 : i32
        %dma_start3A_82 = tpu.memref_slice %arg2[%dma_start3A_80, %dma_start3A_81] : memref<20000x128xf32, #tpu.memory_space<hbm>> -> memref<20000x128xf32, #tpu.memory_space<hbm>>
        %dma_start3A_83 = tpu.memref_slice %arg11[%dma_start3A_72] : memref<2x!tpu.dma_semaphore, #tpu.memory_space<semaphore_mem>> -> memref<1x!tpu.dma_semaphore, #tpu.memory_space<semaphore_mem>>
        %dma_start3A_84 = tpu.memref_squeeze %dma_start3A_83 : memref<1x!tpu.dma_semaphore, #tpu.memory_space<semaphore_mem>> -> memref<!tpu.dma_semaphore, #tpu.memory_space<semaphore_mem>>
        tpu.enqueue_indirect_dma source(%dma_start3A_82 : memref<20000x128xf32, #tpu.memory_space<hbm>>) target(%dma_start3A_76 : memref<224x128xf32, #tpu.memory_space<vmem>>) offsets(%dma_start3A_79 : memref<224xi32, #tpu.memory_space<vmem>>) semaphore(%dma_start3A_84 : memref<!tpu.dma_semaphore, #tpu.memory_space<semaphore_mem>>)
      } else {
      }
      %dma_wait3A_54 = arith.constant 0 : i32
      %dma_wait3A_55 = arith.constant 1 : i32
      %dma_wait3A_56 = arith.constant 1 : i32
      %dma_wait3A_57 = arith.constant 0 : i32
      %dma_wait3A_58 = arith.constant 0 : i32
      %dma_wait3A_59 = tpu.memref_slice %arg9[%dma_wait3A_55, %dma_wait3A_57, %dma_wait3A_58] : memref<2x224x128xf32, #tpu.memory_space<vmem>> -> memref<1x224x128xf32, #tpu.memory_space<vmem>>
      %dma_wait3A_60 = tpu.memref_squeeze %dma_wait3A_59 : memref<1x224x128xf32, #tpu.memory_space<vmem>> -> memref<224x128xf32, #tpu.memory_space<vmem>>
      %dma_wait3A_61 = arith.constant 0 : i32
      %dma_wait3A_62 = tpu.memref_slice %arg7[%dma_wait3A_54, %dma_wait3A_61] : memref<48x224xi32, #tpu.memory_space<vmem>> -> memref<1x224xi32, #tpu.memory_space<vmem>>
      %dma_wait3A_63 = tpu.memref_squeeze %dma_wait3A_62 : memref<1x224xi32, #tpu.memory_space<vmem>> -> memref<224xi32, #tpu.memory_space<vmem>>
      %dma_wait3A_64 = arith.constant 0 : i32
      %dma_wait3A_65 = arith.constant 0 : i32
      %dma_wait3A_66 = tpu.memref_slice %arg2[%dma_wait3A_64, %dma_wait3A_65] : memref<20000x128xf32, #tpu.memory_space<hbm>> -> memref<20000x128xf32, #tpu.memory_space<hbm>>
      %dma_wait3A_67 = tpu.memref_slice %arg11[%dma_wait3A_56] : memref<2x!tpu.dma_semaphore, #tpu.memory_space<semaphore_mem>> -> memref<1x!tpu.dma_semaphore, #tpu.memory_space<semaphore_mem>>
      %dma_wait3A_68 = tpu.memref_squeeze %dma_wait3A_67 : memref<1x!tpu.dma_semaphore, #tpu.memory_space<semaphore_mem>> -> memref<!tpu.dma_semaphore, #tpu.memory_space<semaphore_mem>>
      tpu.wait_indirect_dma semaphore(%dma_wait3A_68 : memref<!tpu.dma_semaphore, #tpu.memory_space<semaphore_mem>>) src(%dma_wait3A_66 : memref<20000x128xf32, #tpu.memory_space<hbm>>) dst(%dma_wait3A_60 : memref<224x128xf32, #tpu.memory_space<vmem>>)
    }
    %scan3A_18 = arith.constant 24 : i32
    %barrier3A_19 = arith.constant 0 : index
    tpu.barrier barrier_id(%barrier3A_19)
    %mul3A = arith.constant 625 : i32
    %mul3A_20 = arith.muli %arg1, %mul3A : i32
    "tpu.region"() ({
      %run_scoped3A_21 = tpu.sem_alloc : memref<!tpu.dma_semaphore, #tpu.memory_space<semaphore_mem>>
      %dma_start3A_22 = arith.constant 0 : i32
      %dma_start3A_23 = arith.constant 0 : i32
      %dma_start3A_24 = tpu.memref_slice %arg6[%arg0, %dma_start3A_22, %dma_start3A_23] : memref<2x10000x128xf32, #tpu.memory_space<hbm>> -> memref<1x10000x128xf32, #tpu.memory_space<hbm>>
      %dma_start3A_25 = tpu.memref_squeeze %dma_start3A_24 : memref<1x10000x128xf32, #tpu.memory_space<hbm>> -> memref<10000x128xf32, #tpu.memory_space<hbm>>
      %dma_start3A_26 = arith.constant 0 : i32
      %dma_start3A_27 = tpu.memref_slice %dma_start3A_25[%mul3A_20, %dma_start3A_26] : memref<10000x128xf32, #tpu.memory_space<hbm>> -> memref<625x128xf32, #tpu.memory_space<hbm>>
      %dma_start3A_28 = arith.constant 0 : i32
      %dma_start3A_29 = arith.constant 0 : i32
      %dma_start3A_30 = tpu.memref_slice %arg10[%dma_start3A_28, %dma_start3A_29] : memref<512x128xf32, #tpu.memory_space<vmem_shared>> -> memref<625x128xf32, #tpu.memory_space<vmem_shared>>
      tpu.enqueue_dma source(%dma_start3A_30 : memref<625x128xf32, #tpu.memory_space<vmem_shared>>) target(%dma_start3A_27 : memref<625x128xf32, #tpu.memory_space<hbm>>) target_semaphore(%run_scoped3A_21 : memref<!tpu.dma_semaphore, #tpu.memory_space<semaphore_mem>>)
      %dma_wait3A = arith.constant 0 : i32
      %dma_wait3A_31 = arith.constant 0 : i32
      %dma_wait3A_32 = tpu.memref_slice %arg6[%arg0, %dma_wait3A, %dma_wait3A_31] : memref<2x10000x128xf32, #tpu.memory_space<hbm>> -> memref<1x10000x128xf32, #tpu.memory_space<hbm>>
      %dma_wait3A_33 = tpu.memref_squeeze %dma_wait3A_32 : memref<1x10000x128xf32, #tpu.memory_space<hbm>> -> memref<10000x128xf32, #tpu.memory_space<hbm>>
      %dma_wait3A_34 = arith.constant 0 : i32
      %dma_wait3A_35 = tpu.memref_slice %dma_wait3A_33[%mul3A_20, %dma_wait3A_34] : memref<10000x128xf32, #tpu.memory_space<hbm>> -> memref<625x128xf32, #tpu.memory_space<hbm>>
      %dma_wait3A_36 = arith.constant 0 : i32
      %dma_wait3A_37 = arith.constant 0 : i32
      %dma_wait3A_38 = tpu.memref_slice %arg10[%dma_wait3A_36, %dma_wait3A_37] : memref<512x128xf32, #tpu.memory_space<vmem_shared>> -> memref<625x128xf32, #tpu.memory_space<vmem_shared>>
      tpu.wait_dma2 semaphore(%run_scoped3A_21 : memref<!tpu.dma_semaphore, #tpu.memory_space<semaphore_mem>>) src(%dma_wait3A_38 : memref<625x128xf32, #tpu.memory_space<vmem_shared>>) dst(%dma_wait3A_35 : memref<625x128xf32, #tpu.memory_space<hbm>>)
      tpu.yield
    }) : () -> ()
    return
  }
}

#map = affine_map<(d0, d1) -> (0, 0)>
#map1 = affine_map<(d0, d1) -> (0, 0, 0, 0)>
#map2 = affine_map<(d0, d1) -> (0, 0, 0)>
module attributes {stable_mosaic.version = 14 : i64} {
  func.func @_sc_agg_body(%arg0: i32, %arg1: i32, %arg2: memref<20000x128xf32, #tpu.memory_space<hbm>>, %arg3: memref<2x16x48x224xi32, #tpu.memory_space<hbm>>, %arg4: memref<16x48x224xi32, #tpu.memory_space<hbm>>, %arg5: memref<224x128xf32, #tpu.memory_space<hbm>>, %arg6: memref<2x10000x128xf32, #tpu.memory_space<hbm>>, %arg7: memref<48x224xi32, #tpu.memory_space<vmem>>, %arg8: memref<48x224xi32, #tpu.memory_space<vmem>>, %arg9: memref<2x224x128xf32, #tpu.memory_space<vmem>>, %arg10: memref<512x128xf32, #tpu.memory_space<vmem_shared>>, %arg11: memref<2x!tpu.dma_semaphore, #tpu.memory_space<semaphore_mem>>, %arg12: memref<2x!tpu.dma_semaphore, #tpu.memory_space<semaphore_mem>>, %arg13: memref<2x!tpu.dma_semaphore, #tpu.memory_space<semaphore_mem>>) attributes {dimension_semantics = [#tpu.dimension_semantics<core_parallel>, #tpu.dimension_semantics<subcore_parallel>], iteration_bounds = array<i64: 2, 16>, scalar_prefetch = 0 : i64, scratch_operands = 7 : i64, tpu.core_type = #tpu.core_type<sc_vector_subcore>, window_params = [{transform_indices = #map}, {transform_indices = #map1}, {transform_indices = #map2}, {transform_indices = #map}, {transform_indices = #map2}]} {
    "tpu.region"() ({
      %run_scoped3A_21 = tpu.sem_alloc : memref<!tpu.dma_semaphore, #tpu.memory_space<semaphore_mem>>
      %dma_start3A_22 = arith.constant 0 : i32
      %dma_start3A_23 = arith.constant 0 : i32
      %dma_start3A_24 = arith.constant 0 : i32
      %dma_start3A_25 = tpu.memref_slice %arg3[%arg0, %dma_start3A_22, %dma_start3A_23, %dma_start3A_24] : memref<2x16x48x224xi32, #tpu.memory_space<hbm>> -> memref<1x16x48x224xi32, #tpu.memory_space<hbm>>
      %dma_start3A_26 = tpu.memref_squeeze %dma_start3A_25 : memref<1x16x48x224xi32, #tpu.memory_space<hbm>> -> memref<16x48x224xi32, #tpu.memory_space<hbm>>
      %dma_start3A_27 = arith.constant 0 : i32
      %dma_start3A_28 = arith.constant 0 : i32
      %dma_start3A_29 = tpu.memref_slice %dma_start3A_26[%arg1, %dma_start3A_27, %dma_start3A_28] : memref<16x48x224xi32, #tpu.memory_space<hbm>> -> memref<1x48x224xi32, #tpu.memory_space<hbm>>
      %dma_start3A_30 = tpu.memref_squeeze %dma_start3A_29 : memref<1x48x224xi32, #tpu.memory_space<hbm>> -> memref<48x224xi32, #tpu.memory_space<hbm>>
      %dma_start3A_31 = arith.constant 0 : i32
      %dma_start3A_32 = arith.constant 0 : i32
      %dma_start3A_33 = arith.constant 0 : i32
      %dma_start3A_34 = tpu.memref_slice %arg3[%arg0, %dma_start3A_31, %dma_start3A_32, %dma_start3A_33] : memref<2x16x48x224xi32, #tpu.memory_space<hbm>> -> memref<1x16x48x224xi32, #tpu.memory_space<hbm>>
      %dma_start3A_35 = tpu.memref_squeeze %dma_start3A_34 : memref<1x16x48x224xi32, #tpu.memory_space<hbm>> -> memref<16x48x224xi32, #tpu.memory_space<hbm>>
      %dma_start3A_36 = arith.constant 0 : i32
      %dma_start3A_37 = arith.constant 0 : i32
      %dma_start3A_38 = tpu.memref_slice %dma_start3A_35[%arg1, %dma_start3A_36, %dma_start3A_37] : memref<16x48x224xi32, #tpu.memory_space<hbm>> -> memref<1x48x224xi32, #tpu.memory_space<hbm>>
      %dma_start3A_39 = tpu.memref_squeeze %dma_start3A_38 : memref<1x48x224xi32, #tpu.memory_space<hbm>> -> memref<48x224xi32, #tpu.memory_space<hbm>>
      tpu.enqueue_dma source(%dma_start3A_39 : memref<48x224xi32, #tpu.memory_space<hbm>>) target(%arg7 : memref<48x224xi32, #tpu.memory_space<vmem>>) target_semaphore(%run_scoped3A_21 : memref<!tpu.dma_semaphore, #tpu.memory_space<semaphore_mem>>)
      %dma_wait3A = arith.constant 0 : i32
      %dma_wait3A_40 = arith.constant 0 : i32
      %dma_wait3A_41 = arith.constant 0 : i32
      %dma_wait3A_42 = tpu.memref_slice %arg3[%arg0, %dma_wait3A, %dma_wait3A_40, %dma_wait3A_41] : memref<2x16x48x224xi32, #tpu.memory_space<hbm>> -> memref<1x16x48x224xi32, #tpu.memory_space<hbm>>
      %dma_wait3A_43 = tpu.memref_squeeze %dma_wait3A_42 : memref<1x16x48x224xi32, #tpu.memory_space<hbm>> -> memref<16x48x224xi32, #tpu.memory_space<hbm>>
      %dma_wait3A_44 = arith.constant 0 : i32
      %dma_wait3A_45 = arith.constant 0 : i32
      %dma_wait3A_46 = tpu.memref_slice %dma_wait3A_43[%arg1, %dma_wait3A_44, %dma_wait3A_45] : memref<16x48x224xi32, #tpu.memory_space<hbm>> -> memref<1x48x224xi32, #tpu.memory_space<hbm>>
      %dma_wait3A_47 = tpu.memref_squeeze %dma_wait3A_46 : memref<1x48x224xi32, #tpu.memory_space<hbm>> -> memref<48x224xi32, #tpu.memory_space<hbm>>
      %dma_wait3A_48 = arith.constant 0 : i32
      %dma_wait3A_49 = arith.constant 0 : i32
      %dma_wait3A_50 = arith.constant 0 : i32
      %dma_wait3A_51 = tpu.memref_slice %arg3[%arg0, %dma_wait3A_48, %dma_wait3A_49, %dma_wait3A_50] : memref<2x16x48x224xi32, #tpu.memory_space<hbm>> -> memref<1x16x48x224xi32, #tpu.memory_space<hbm>>
      %dma_wait3A_52 = tpu.memref_squeeze %dma_wait3A_51 : memref<1x16x48x224xi32, #tpu.memory_space<hbm>> -> memref<16x48x224xi32, #tpu.memory_space<hbm>>
      %dma_wait3A_53 = arith.constant 0 : i32
      %dma_wait3A_54 = arith.constant 0 : i32
      %dma_wait3A_55 = tpu.memref_slice %dma_wait3A_52[%arg1, %dma_wait3A_53, %dma_wait3A_54] : memref<16x48x224xi32, #tpu.memory_space<hbm>> -> memref<1x48x224xi32, #tpu.memory_space<hbm>>
      %dma_wait3A_56 = tpu.memref_squeeze %dma_wait3A_55 : memref<1x48x224xi32, #tpu.memory_space<hbm>> -> memref<48x224xi32, #tpu.memory_space<hbm>>
      tpu.wait_dma2 semaphore(%run_scoped3A_21 : memref<!tpu.dma_semaphore, #tpu.memory_space<semaphore_mem>>) src(%dma_wait3A_56 : memref<48x224xi32, #tpu.memory_space<hbm>>) dst(%arg7 : memref<48x224xi32, #tpu.memory_space<vmem>>)
      tpu.yield
    }) : () -> ()
    "tpu.region"() ({
      %run_scoped3A_21 = tpu.sem_alloc : memref<!tpu.dma_semaphore, #tpu.memory_space<semaphore_mem>>
      %dma_start3A_22 = arith.constant 0 : i32
      %dma_start3A_23 = arith.constant 0 : i32
      %dma_start3A_24 = tpu.memref_slice %arg4[%arg1, %dma_start3A_22, %dma_start3A_23] : memref<16x48x224xi32, #tpu.memory_space<hbm>> -> memref<1x48x224xi32, #tpu.memory_space<hbm>>
      %dma_start3A_25 = tpu.memref_squeeze %dma_start3A_24 : memref<1x48x224xi32, #tpu.memory_space<hbm>> -> memref<48x224xi32, #tpu.memory_space<hbm>>
      %dma_start3A_26 = arith.constant 0 : i32
      %dma_start3A_27 = arith.constant 0 : i32
      %dma_start3A_28 = tpu.memref_slice %arg4[%arg1, %dma_start3A_26, %dma_start3A_27] : memref<16x48x224xi32, #tpu.memory_space<hbm>> -> memref<1x48x224xi32, #tpu.memory_space<hbm>>
      %dma_start3A_29 = tpu.memref_squeeze %dma_start3A_28 : memref<1x48x224xi32, #tpu.memory_space<hbm>> -> memref<48x224xi32, #tpu.memory_space<hbm>>
      tpu.enqueue_dma source(%dma_start3A_29 : memref<48x224xi32, #tpu.memory_space<hbm>>) target(%arg8 : memref<48x224xi32, #tpu.memory_space<vmem>>) target_semaphore(%run_scoped3A_21 : memref<!tpu.dma_semaphore, #tpu.memory_space<semaphore_mem>>)
      %dma_wait3A = arith.constant 0 : i32
      %dma_wait3A_30 = arith.constant 0 : i32
      %dma_wait3A_31 = tpu.memref_slice %arg4[%arg1, %dma_wait3A, %dma_wait3A_30] : memref<16x48x224xi32, #tpu.memory_space<hbm>> -> memref<1x48x224xi32, #tpu.memory_space<hbm>>
      %dma_wait3A_32 = tpu.memref_squeeze %dma_wait3A_31 : memref<1x48x224xi32, #tpu.memory_space<hbm>> -> memref<48x224xi32, #tpu.memory_space<hbm>>
      %dma_wait3A_33 = arith.constant 0 : i32
      %dma_wait3A_34 = arith.constant 0 : i32
      %dma_wait3A_35 = tpu.memref_slice %arg4[%arg1, %dma_wait3A_33, %dma_wait3A_34] : memref<16x48x224xi32, #tpu.memory_space<hbm>> -> memref<1x48x224xi32, #tpu.memory_space<hbm>>
      %dma_wait3A_36 = tpu.memref_squeeze %dma_wait3A_35 : memref<1x48x224xi32, #tpu.memory_space<hbm>> -> memref<48x224xi32, #tpu.memory_space<hbm>>
      tpu.wait_dma2 semaphore(%run_scoped3A_21 : memref<!tpu.dma_semaphore, #tpu.memory_space<semaphore_mem>>) src(%dma_wait3A_36 : memref<48x224xi32, #tpu.memory_space<hbm>>) dst(%arg8 : memref<48x224xi32, #tpu.memory_space<vmem>>)
      tpu.yield
    }) : () -> ()
    %run_scoped3A = arith.constant 0 : i32
    "tpu.region"() ({
      %run_scoped3A_21 = tpu.sem_alloc : memref<!tpu.dma_semaphore, #tpu.memory_space<semaphore_mem>>
      %dma_start3A_22 = arith.constant 0 : i32
      %dma_start3A_23 = arith.constant 0 : i32
      %dma_start3A_24 = tpu.memref_slice %arg9[%run_scoped3A, %dma_start3A_22, %dma_start3A_23] : memref<2x224x128xf32, #tpu.memory_space<vmem>> -> memref<1x224x128xf32, #tpu.memory_space<vmem>>
      %dma_start3A_25 = tpu.memref_squeeze %dma_start3A_24 : memref<1x224x128xf32, #tpu.memory_space<vmem>> -> memref<224x128xf32, #tpu.memory_space<vmem>>
      %dma_start3A_26 = arith.constant 0 : i32
      %dma_start3A_27 = arith.constant 0 : i32
      %dma_start3A_28 = tpu.memref_slice %arg9[%run_scoped3A, %dma_start3A_26, %dma_start3A_27] : memref<2x224x128xf32, #tpu.memory_space<vmem>> -> memref<1x224x128xf32, #tpu.memory_space<vmem>>
      %dma_start3A_29 = tpu.memref_squeeze %dma_start3A_28 : memref<1x224x128xf32, #tpu.memory_space<vmem>> -> memref<224x128xf32, #tpu.memory_space<vmem>>
      tpu.enqueue_dma source(%arg5 : memref<224x128xf32, #tpu.memory_space<hbm>>) target(%dma_start3A_29 : memref<224x128xf32, #tpu.memory_space<vmem>>) target_semaphore(%run_scoped3A_21 : memref<!tpu.dma_semaphore, #tpu.memory_space<semaphore_mem>>)
      %dma_wait3A = arith.constant 0 : i32
      %dma_wait3A_30 = arith.constant 0 : i32
      %dma_wait3A_31 = tpu.memref_slice %arg9[%run_scoped3A, %dma_wait3A, %dma_wait3A_30] : memref<2x224x128xf32, #tpu.memory_space<vmem>> -> memref<1x224x128xf32, #tpu.memory_space<vmem>>
      %dma_wait3A_32 = tpu.memref_squeeze %dma_wait3A_31 : memref<1x224x128xf32, #tpu.memory_space<vmem>> -> memref<224x128xf32, #tpu.memory_space<vmem>>
      %dma_wait3A_33 = arith.constant 0 : i32
      %dma_wait3A_34 = arith.constant 0 : i32
      %dma_wait3A_35 = tpu.memref_slice %arg9[%run_scoped3A, %dma_wait3A_33, %dma_wait3A_34] : memref<2x224x128xf32, #tpu.memory_space<vmem>> -> memref<1x224x128xf32, #tpu.memory_space<vmem>>
      %dma_wait3A_36 = tpu.memref_squeeze %dma_wait3A_35 : memref<1x224x128xf32, #tpu.memory_space<vmem>> -> memref<224x128xf32, #tpu.memory_space<vmem>>
      tpu.wait_dma2 semaphore(%run_scoped3A_21 : memref<!tpu.dma_semaphore, #tpu.memory_space<semaphore_mem>>) src(%arg5 : memref<224x128xf32, #tpu.memory_space<hbm>>) dst(%dma_wait3A_36 : memref<224x128xf32, #tpu.memory_space<vmem>>)
      tpu.yield
    }) : () -> ()
    %barrier3A = arith.constant 0 : index
    tpu.barrier barrier_id(%barrier3A)
    %dma_start3A = arith.constant 0 : i32
    %dma_start3A_0 = arith.constant 0 : i32
    %dma_start3A_1 = arith.constant 0 : i32
    %dma_start3A_2 = arith.constant 0 : i32
    %dma_start3A_3 = arith.constant 0 : i32
    %dma_start3A_4 = tpu.memref_slice %arg9[%dma_start3A_0, %dma_start3A_2, %dma_start3A_3] : memref<2x224x128xf32, #tpu.memory_space<vmem>> -> memref<1x224x128xf32, #tpu.memory_space<vmem>>
    %dma_start3A_5 = tpu.memref_squeeze %dma_start3A_4 : memref<1x224x128xf32, #tpu.memory_space<vmem>> -> memref<224x128xf32, #tpu.memory_space<vmem>>
    %dma_start3A_6 = arith.constant 0 : i32
    %dma_start3A_7 = tpu.memref_slice %arg7[%dma_start3A, %dma_start3A_6] : memref<48x224xi32, #tpu.memory_space<vmem>> -> memref<1x224xi32, #tpu.memory_space<vmem>>
    %dma_start3A_8 = tpu.memref_squeeze %dma_start3A_7 : memref<1x224xi32, #tpu.memory_space<vmem>> -> memref<224xi32, #tpu.memory_space<vmem>>
    %dma_start3A_9 = arith.constant 0 : i32
    %dma_start3A_10 = arith.constant 0 : i32
    %dma_start3A_11 = tpu.memref_slice %arg2[%dma_start3A_9, %dma_start3A_10] : memref<20000x128xf32, #tpu.memory_space<hbm>> -> memref<20000x128xf32, #tpu.memory_space<hbm>>
    %dma_start3A_12 = tpu.memref_slice %arg11[%dma_start3A_1] : memref<2x!tpu.dma_semaphore, #tpu.memory_space<semaphore_mem>> -> memref<1x!tpu.dma_semaphore, #tpu.memory_space<semaphore_mem>>
    %dma_start3A_13 = tpu.memref_squeeze %dma_start3A_12 : memref<1x!tpu.dma_semaphore, #tpu.memory_space<semaphore_mem>> -> memref<!tpu.dma_semaphore, #tpu.memory_space<semaphore_mem>>
    tpu.enqueue_indirect_dma source(%dma_start3A_11 : memref<20000x128xf32, #tpu.memory_space<hbm>>) target(%dma_start3A_5 : memref<224x128xf32, #tpu.memory_space<vmem>>) offsets(%dma_start3A_8 : memref<224xi32, #tpu.memory_space<vmem>>) semaphore(%dma_start3A_13 : memref<!tpu.dma_semaphore, #tpu.memory_space<semaphore_mem>>)
    %scan3A = arith.constant 0 : i32
    %scan3A_14 = arith.constant 0 : i32
    %scan3A_15 = arith.constant 24 : i32
    %scan3A_16 = arith.addi %scan3A_14, %scan3A_15 : i32
    %scan3A_17 = arith.constant 1 : i32
    scf.for %scan3A_21 = %scan3A_14 to %scan3A_16 step %scan3A_17  : i32 {
      %mul3A_22 = arith.constant 2 : i32
      %mul3A_23 = arith.muli %mul3A_22, %scan3A_21 : i32
      %add3A = arith.constant 0 : i32
      %add3A_24 = arith.addi %mul3A_23, %add3A : i32
      %add3A_25 = arith.constant 1 : i32
      %add3A_26 = arith.addi %add3A_24, %add3A_25 : i32
      %lt3A = arith.constant 48 : i32
      %lt3A_27 = arith.cmpi slt, %add3A_26, %lt3A : i32
      %convert_element_type3A = arith.extui %lt3A_27 : i1 to i32
      %cond3A = arith.constant 0 : i32
      %cond3A_28 = arith.cmpi ne, %convert_element_type3A, %cond3A : i32
      scf.if %cond3A_28 {
        %add3A_69 = arith.constant 1 : i32
        %add3A_70 = arith.addi %add3A_24, %add3A_69 : i32
        %dma_start3A_71 = arith.constant 1 : i32
        %dma_start3A_72 = arith.constant 1 : i32
        %dma_start3A_73 = arith.constant 0 : i32
        %dma_start3A_74 = arith.constant 0 : i32
        %dma_start3A_75 = tpu.memref_slice %arg9[%dma_start3A_71, %dma_start3A_73, %dma_start3A_74] : memref<2x224x128xf32, #tpu.memory_space<vmem>> -> memref<1x224x128xf32, #tpu.memory_space<vmem>>
        %dma_start3A_76 = tpu.memref_squeeze %dma_start3A_75 : memref<1x224x128xf32, #tpu.memory_space<vmem>> -> memref<224x128xf32, #tpu.memory_space<vmem>>
        %dma_start3A_77 = arith.constant 0 : i32
        %dma_start3A_78 = tpu.memref_slice %arg7[%add3A_70, %dma_start3A_77] : memref<48x224xi32, #tpu.memory_space<vmem>> -> memref<1x224xi32, #tpu.memory_space<vmem>>
        %dma_start3A_79 = tpu.memref_squeeze %dma_start3A_78 : memref<1x224xi32, #tpu.memory_space<vmem>> -> memref<224xi32, #tpu.memory_space<vmem>>
        %dma_start3A_80 = arith.constant 0 : i32
        %dma_start3A_81 = arith.constant 0 : i32
        %dma_start3A_82 = tpu.memref_slice %arg2[%dma_start3A_80, %dma_start3A_81] : memref<20000x128xf32, #tpu.memory_space<hbm>> -> memref<20000x128xf32, #tpu.memory_space<hbm>>
        %dma_start3A_83 = tpu.memref_slice %arg11[%dma_start3A_72] : memref<2x!tpu.dma_semaphore, #tpu.memory_space<semaphore_mem>> -> memref<1x!tpu.dma_semaphore, #tpu.memory_space<semaphore_mem>>
        %dma_start3A_84 = tpu.memref_squeeze %dma_start3A_83 : memref<1x!tpu.dma_semaphore, #tpu.memory_space<semaphore_mem>> -> memref<!tpu.dma_semaphore, #tpu.memory_space<semaphore_mem>>
        tpu.enqueue_indirect_dma source(%dma_start3A_82 : memref<20000x128xf32, #tpu.memory_space<hbm>>) target(%dma_start3A_76 : memref<224x128xf32, #tpu.memory_space<vmem>>) offsets(%dma_start3A_79 : memref<224xi32, #tpu.memory_space<vmem>>) semaphore(%dma_start3A_84 : memref<!tpu.dma_semaphore, #tpu.memory_space<semaphore_mem>>)
      } else {
      }
      %dma_wait3A = arith.constant 0 : i32
      %dma_wait3A_29 = arith.constant 0 : i32
      %dma_wait3A_30 = arith.constant 0 : i32
      %dma_wait3A_31 = arith.constant 0 : i32
      %dma_wait3A_32 = arith.constant 0 : i32
      %dma_wait3A_33 = tpu.memref_slice %arg9[%dma_wait3A_29, %dma_wait3A_31, %dma_wait3A_32] : memref<2x224x128xf32, #tpu.memory_space<vmem>> -> memref<1x224x128xf32, #tpu.memory_space<vmem>>
      %dma_wait3A_34 = tpu.memref_squeeze %dma_wait3A_33 : memref<1x224x128xf32, #tpu.memory_space<vmem>> -> memref<224x128xf32, #tpu.memory_space<vmem>>
      %dma_wait3A_35 = arith.constant 0 : i32
      %dma_wait3A_36 = tpu.memref_slice %arg7[%dma_wait3A, %dma_wait3A_35] : memref<48x224xi32, #tpu.memory_space<vmem>> -> memref<1x224xi32, #tpu.memory_space<vmem>>
      %dma_wait3A_37 = tpu.memref_squeeze %dma_wait3A_36 : memref<1x224xi32, #tpu.memory_space<vmem>> -> memref<224xi32, #tpu.memory_space<vmem>>
      %dma_wait3A_38 = arith.constant 0 : i32
      %dma_wait3A_39 = arith.constant 0 : i32
      %dma_wait3A_40 = tpu.memref_slice %arg2[%dma_wait3A_38, %dma_wait3A_39] : memref<20000x128xf32, #tpu.memory_space<hbm>> -> memref<20000x128xf32, #tpu.memory_space<hbm>>
      %dma_wait3A_41 = tpu.memref_slice %arg11[%dma_wait3A_30] : memref<2x!tpu.dma_semaphore, #tpu.memory_space<semaphore_mem>> -> memref<1x!tpu.dma_semaphore, #tpu.memory_space<semaphore_mem>>
      %dma_wait3A_42 = tpu.memref_squeeze %dma_wait3A_41 : memref<1x!tpu.dma_semaphore, #tpu.memory_space<semaphore_mem>> -> memref<!tpu.dma_semaphore, #tpu.memory_space<semaphore_mem>>
      tpu.wait_indirect_dma semaphore(%dma_wait3A_42 : memref<!tpu.dma_semaphore, #tpu.memory_space<semaphore_mem>>) src(%dma_wait3A_40 : memref<20000x128xf32, #tpu.memory_space<hbm>>) dst(%dma_wait3A_34 : memref<224x128xf32, #tpu.memory_space<vmem>>)
      %mul3A_43 = arith.constant 2 : i32
      %mul3A_44 = arith.muli %mul3A_43, %scan3A_21 : i32
      %add3A_45 = arith.constant 1 : i32
      %add3A_46 = arith.addi %mul3A_44, %add3A_45 : i32
      %add3A_47 = arith.constant 1 : i32
      %add3A_48 = arith.addi %add3A_46, %add3A_47 : i32
      %lt3A_49 = arith.constant 48 : i32
      %lt3A_50 = arith.cmpi slt, %add3A_48, %lt3A_49 : i32
      %convert_element_type3A_51 = arith.extui %lt3A_50 : i1 to i32
      %cond3A_52 = arith.constant 0 : i32
      %cond3A_53 = arith.cmpi ne, %convert_element_type3A_51, %cond3A_52 : i32
      scf.if %cond3A_53 {
        %add3A_69 = arith.constant 1 : i32
        %add3A_70 = arith.addi %add3A_46, %add3A_69 : i32
        %dma_start3A_71 = arith.constant 0 : i32
        %dma_start3A_72 = arith.constant 0 : i32
        %dma_start3A_73 = arith.constant 0 : i32
        %dma_start3A_74 = arith.constant 0 : i32
        %dma_start3A_75 = tpu.memref_slice %arg9[%dma_start3A_71, %dma_start3A_73, %dma_start3A_74] : memref<2x224x128xf32, #tpu.memory_space<vmem>> -> memref<1x224x128xf32, #tpu.memory_space<vmem>>
        %dma_start3A_76 = tpu.memref_squeeze %dma_start3A_75 : memref<1x224x128xf32, #tpu.memory_space<vmem>> -> memref<224x128xf32, #tpu.memory_space<vmem>>
        %dma_start3A_77 = arith.constant 0 : i32
        %dma_start3A_78 = tpu.memref_slice %arg7[%add3A_70, %dma_start3A_77] : memref<48x224xi32, #tpu.memory_space<vmem>> -> memref<1x224xi32, #tpu.memory_space<vmem>>
        %dma_start3A_79 = tpu.memref_squeeze %dma_start3A_78 : memref<1x224xi32, #tpu.memory_space<vmem>> -> memref<224xi32, #tpu.memory_space<vmem>>
        %dma_start3A_80 = arith.constant 0 : i32
        %dma_start3A_81 = arith.constant 0 : i32
        %dma_start3A_82 = tpu.memref_slice %arg2[%dma_start3A_80, %dma_start3A_81] : memref<20000x128xf32, #tpu.memory_space<hbm>> -> memref<20000x128xf32, #tpu.memory_space<hbm>>
        %dma_start3A_83 = tpu.memref_slice %arg11[%dma_start3A_72] : memref<2x!tpu.dma_semaphore, #tpu.memory_space<semaphore_mem>> -> memref<1x!tpu.dma_semaphore, #tpu.memory_space<semaphore_mem>>
        %dma_start3A_84 = tpu.memref_squeeze %dma_start3A_83 : memref<1x!tpu.dma_semaphore, #tpu.memory_space<semaphore_mem>> -> memref<!tpu.dma_semaphore, #tpu.memory_space<semaphore_mem>>
        tpu.enqueue_indirect_dma source(%dma_start3A_82 : memref<20000x128xf32, #tpu.memory_space<hbm>>) target(%dma_start3A_76 : memref<224x128xf32, #tpu.memory_space<vmem>>) offsets(%dma_start3A_79 : memref<224xi32, #tpu.memory_space<vmem>>) semaphore(%dma_start3A_84 : memref<!tpu.dma_semaphore, #tpu.memory_space<semaphore_mem>>)
      } else {
      }
      %dma_wait3A_54 = arith.constant 0 : i32
      %dma_wait3A_55 = arith.constant 1 : i32
      %dma_wait3A_56 = arith.constant 1 : i32
      %dma_wait3A_57 = arith.constant 0 : i32
      %dma_wait3A_58 = arith.constant 0 : i32
      %dma_wait3A_59 = tpu.memref_slice %arg9[%dma_wait3A_55, %dma_wait3A_57, %dma_wait3A_58] : memref<2x224x128xf32, #tpu.memory_space<vmem>> -> memref<1x224x128xf32, #tpu.memory_space<vmem>>
      %dma_wait3A_60 = tpu.memref_squeeze %dma_wait3A_59 : memref<1x224x128xf32, #tpu.memory_space<vmem>> -> memref<224x128xf32, #tpu.memory_space<vmem>>
      %dma_wait3A_61 = arith.constant 0 : i32
      %dma_wait3A_62 = tpu.memref_slice %arg7[%dma_wait3A_54, %dma_wait3A_61] : memref<48x224xi32, #tpu.memory_space<vmem>> -> memref<1x224xi32, #tpu.memory_space<vmem>>
      %dma_wait3A_63 = tpu.memref_squeeze %dma_wait3A_62 : memref<1x224xi32, #tpu.memory_space<vmem>> -> memref<224xi32, #tpu.memory_space<vmem>>
      %dma_wait3A_64 = arith.constant 0 : i32
      %dma_wait3A_65 = arith.constant 0 : i32
      %dma_wait3A_66 = tpu.memref_slice %arg2[%dma_wait3A_64, %dma_wait3A_65] : memref<20000x128xf32, #tpu.memory_space<hbm>> -> memref<20000x128xf32, #tpu.memory_space<hbm>>
      %dma_wait3A_67 = tpu.memref_slice %arg11[%dma_wait3A_56] : memref<2x!tpu.dma_semaphore, #tpu.memory_space<semaphore_mem>> -> memref<1x!tpu.dma_semaphore, #tpu.memory_space<semaphore_mem>>
      %dma_wait3A_68 = tpu.memref_squeeze %dma_wait3A_67 : memref<1x!tpu.dma_semaphore, #tpu.memory_space<semaphore_mem>> -> memref<!tpu.dma_semaphore, #tpu.memory_space<semaphore_mem>>
      tpu.wait_indirect_dma semaphore(%dma_wait3A_68 : memref<!tpu.dma_semaphore, #tpu.memory_space<semaphore_mem>>) src(%dma_wait3A_66 : memref<20000x128xf32, #tpu.memory_space<hbm>>) dst(%dma_wait3A_60 : memref<224x128xf32, #tpu.memory_space<vmem>>)
    }
    %scan3A_18 = arith.constant 24 : i32
    %barrier3A_19 = arith.constant 0 : index
    tpu.barrier barrier_id(%barrier3A_19)
    %mul3A = arith.constant 625 : i32
    %mul3A_20 = arith.muli %arg1, %mul3A : i32
    "tpu.region"() ({
      %run_scoped3A_21 = tpu.sem_alloc : memref<!tpu.dma_semaphore, #tpu.memory_space<semaphore_mem>>
      %dma_start3A_22 = arith.constant 0 : i32
      %dma_start3A_23 = arith.constant 0 : i32
      %dma_start3A_24 = tpu.memref_slice %arg6[%arg0, %dma_start3A_22, %dma_start3A_23] : memref<2x10000x128xf32, #tpu.memory_space<hbm>> -> memref<1x10000x128xf32, #tpu.memory_space<hbm>>
      %dma_start3A_25 = tpu.memref_squeeze %dma_start3A_24 : memref<1x10000x128xf32, #tpu.memory_space<hbm>> -> memref<10000x128xf32, #tpu.memory_space<hbm>>
      %dma_start3A_26 = arith.constant 0 : i32
      %dma_start3A_27 = tpu.memref_slice %dma_start3A_25[%mul3A_20, %dma_start3A_26] : memref<10000x128xf32, #tpu.memory_space<hbm>> -> memref<625x128xf32, #tpu.memory_space<hbm>>
      %dma_start3A_28 = arith.constant 0 : i32
      %dma_start3A_29 = arith.constant 0 : i32
      %dma_start3A_30 = tpu.memref_slice %arg10[%dma_start3A_28, %dma_start3A_29] : memref<512x128xf32, #tpu.memory_space<vmem_shared>> -> memref<625x128xf32, #tpu.memory_space<vmem_shared>>
      tpu.enqueue_dma source(%dma_start3A_30 : memref<625x128xf32, #tpu.memory_space<vmem_shared>>) target(%dma_start3A_27 : memref<625x128xf32, #tpu.memory_space<hbm>>) target_semaphore(%run_scoped3A_21 : memref<!tpu.dma_semaphore, #tpu.memory_space<semaphore_mem>>)
      %dma_wait3A = arith.constant 0 : i32
      %dma_wait3A_31 = arith.constant 0 : i32
      %dma_wait3A_32 = tpu.memref_slice %arg6[%arg0, %dma_wait3A, %dma_wait3A_31] : memref<2x10000x128xf32, #tpu.memory_space<hbm>> -> memref<1x10000x128xf32, #tpu.memory_space<hbm>>
      %dma_wait3A_33 = tpu.memref_squeeze %dma_wait3A_32 : memref<1x10000x128xf32, #tpu.memory_space<hbm>> -> memref<10000x128xf32, #tpu.memory_space<hbm>>
      %dma_wait3A_34 = arith.constant 0 : i32
      %dma_wait3A_35 = tpu.memref_slice %dma_wait3A_33[%mul3A_20, %dma_wait3A_34] : memref<10000x128xf32, #tpu.memory_space<hbm>> -> memref<625x128xf32, #tpu.memory_space<hbm>>
      %dma_wait3A_36 = arith.constant 0 : i32
      %dma_wait3A_37 = arith.constant 0 : i32
      %dma_wait3A_38 = tpu.memref_slice %arg10[%dma_wait3A_36, %dma_wait3A_37] : memref<512x128xf32, #tpu.memory_space<vmem_shared>> -> memref<625x128xf32, #tpu.memory_space<vmem_shared>>
      tpu.wait_dma2 semaphore(%run_scoped3A_21 : memref<!tpu.dma_semaphore, #tpu.memory_space<semaphore_mem>>) src(%dma_wait3A_38 : memref<625x128xf32, #tpu.memory_space<vmem_shared>>) dst(%dma_wait3A_35 : memref<625x128xf32, #tpu.memory_space<hbm>>)
      tpu.yield
    }) : () -> ()
    return
  }
}

module attributes {stable_mosaic.version = 14 : i64} {
  func.func @_attn_body(%arg0: i32, %arg1: memref<2x1000x128xf32, #tpu.memory_space<vmem>>, %arg2: memref<256x256xf32, #tpu.memory_space<vmem>>, %arg3: memref<1x256xf32, #tpu.memory_space<vmem>>, %arg4: memref<256x256xf32, #tpu.memory_space<vmem>>, %arg5: memref<1x256xf32, #tpu.memory_space<vmem>>, %arg6: memref<256x1xf32, #tpu.memory_space<vmem>>, %arg7: memref<1x1xf32, #tpu.memory_space<vmem>>, %arg8: memref<1000x1xf32, #tpu.memory_space<vmem>>) attributes {dimension_semantics = [#tpu.dimension_semantics<arbitrary>], iteration_bounds = array<i64: 10>, scalar_prefetch = 0 : i64, scratch_operands = 0 : i64, tpu.core_type = #tpu.core_type<tc>, window_params = [{transform_indices = @transform_0, window_bounds = array<i64: 2, 1000, 128>}, {pipeline_mode = #tpu.pipeline_mode<synchronous>, transform_indices = @transform_1, window_bounds = array<i64: 256, 256>}, {pipeline_mode = #tpu.pipeline_mode<synchronous>, transform_indices = @transform_2, window_bounds = array<i64: 1, 256>}, {pipeline_mode = #tpu.pipeline_mode<synchronous>, transform_indices = @transform_3, window_bounds = array<i64: 256, 256>}, {pipeline_mode = #tpu.pipeline_mode<synchronous>, transform_indices = @transform_4, window_bounds = array<i64: 1, 256>}, {pipeline_mode = #tpu.pipeline_mode<synchronous>, transform_indices = @transform_5, window_bounds = array<i64: 256, 1>}, {pipeline_mode = #tpu.pipeline_mode<synchronous>, transform_indices = @transform_6, window_bounds = array<i64: 1, 1>}, {transform_indices = @transform_7, window_bounds = array<i64: 1000, 1>}]} {
    %get3A = arith.constant 0 : index
    %get3A_0 = arith.constant 0 : index
    %get3A_1 = arith.constant 0 : index
    %get3A_2 = vector.load %arg1[%get3A, %get3A_0, %get3A_1] : memref<2x1000x128xf32, #tpu.memory_space<vmem>>, vector<1x1000x128xf32>
    %get3A_3 = vector.shape_cast %get3A_2 : vector<1x1000x128xf32> to vector<1000x128xf32>
    %get3A_4 = arith.constant 1 : index
    %get3A_5 = arith.constant 0 : index
    %get3A_6 = arith.constant 0 : index
    %get3A_7 = vector.load %arg1[%get3A_4, %get3A_5, %get3A_6] : memref<2x1000x128xf32, #tpu.memory_space<vmem>>, vector<1x1000x128xf32>
    %get3A_8 = vector.shape_cast %get3A_7 : vector<1x1000x128xf32> to vector<1000x128xf32>
    %concatenate3A = tpu.concatenate %get3A_3, %get3A_8 in 1 : vector<1000x128xf32>, vector<1000x128xf32> -> vector<1000x256xf32>
    %get3A_9 = arith.constant 0 : index
    %get3A_10 = arith.constant 0 : index
    %get3A_11 = vector.load %arg2[%get3A_9, %get3A_10] : memref<256x256xf32, #tpu.memory_space<vmem>>, vector<256x256xf32>
    %dot_general3A = arith.constant dense<0.000000e+00> : vector<1000x256xf32>
    %dot_general3A_12 = tpu.matmul %concatenate3A, %get3A_11, %dot_general3A {dimension_numbers = #tpu.dot_dimension_numbers<[1], [0], [0], [1], [0, 0, 1, 1], [], []>, transpose_lhs_hint = false} : vector<1000x256xf32>, vector<256x256xf32>, vector<1000x256xf32> -> vector<1000x256xf32>
    %get3A_13 = arith.constant 0 : index
    %get3A_14 = arith.constant 0 : index
    %get3A_15 = vector.load %arg3[%get3A_13, %get3A_14] : memref<1x256xf32, #tpu.memory_space<vmem>>, vector<1x256xf32>
    %add3A = vector.broadcast %get3A_15 : vector<1x256xf32> to vector<1000x256xf32>
    %add3A_16 = arith.addf %dot_general3A_12, %add3A : vector<1000x256xf32>
    %tanh3A = math.tanh %add3A_16 : vector<1000x256xf32>
    %get3A_17 = arith.constant 0 : index
    %get3A_18 = arith.constant 0 : index
    %get3A_19 = vector.load %arg4[%get3A_17, %get3A_18] : memref<256x256xf32, #tpu.memory_space<vmem>>, vector<256x256xf32>
    %dot_general3A_20 = arith.constant dense<0.000000e+00> : vector<1000x256xf32>
    %dot_general3A_21 = tpu.matmul %concatenate3A, %get3A_19, %dot_general3A_20 {dimension_numbers = #tpu.dot_dimension_numbers<[1], [0], [0], [1], [0, 0, 1, 1], [], []>, transpose_lhs_hint = false} : vector<1000x256xf32>, vector<256x256xf32>, vector<1000x256xf32> -> vector<1000x256xf32>
    %get3A_22 = arith.constant 0 : index
    %get3A_23 = arith.constant 0 : index
    %get3A_24 = vector.load %arg5[%get3A_22, %get3A_23] : memref<1x256xf32, #tpu.memory_space<vmem>>, vector<1x256xf32>
    %add3A_25 = vector.broadcast %get3A_24 : vector<1x256xf32> to vector<1000x256xf32>
    %add3A_26 = arith.addf %dot_general3A_21, %add3A_25 : vector<1000x256xf32>
    %logistic3A = arith.negf %add3A_26 : vector<1000x256xf32>
    %logistic3A_27 = math.exp %logistic3A : vector<1000x256xf32>
    %logistic3A_28 = arith.constant 1.000000e+00 : f32
    %logistic3A_29 = vector.broadcast %logistic3A_28 : f32 to vector<1000x256xf32>
    %logistic3A_30 = arith.addf %logistic3A_29, %logistic3A_27 : vector<1000x256xf32>
    %logistic3A_31 = arith.divf %logistic3A_29, %logistic3A_30 : vector<1000x256xf32>
    %mul3A = arith.mulf %tanh3A, %logistic3A_31 : vector<1000x256xf32>
    %get3A_32 = arith.constant 0 : index
    %get3A_33 = arith.constant 0 : index
    %get3A_34 = vector.load %arg6[%get3A_32, %get3A_33] : memref<256x1xf32, #tpu.memory_space<vmem>>, vector<256x1xf32>
    %dot_general3A_35 = arith.constant dense<0.000000e+00> : vector<1000x1xf32>
    %dot_general3A_36 = tpu.matmul %mul3A, %get3A_34, %dot_general3A_35 {dimension_numbers = #tpu.dot_dimension_numbers<[1], [0], [0], [1], [0, 0, 1, 1], [], []>, transpose_lhs_hint = false} : vector<1000x256xf32>, vector<256x1xf32>, vector<1000x1xf32> -> vector<1000x1xf32>
    %get3A_37 = arith.constant 0 : index
    %get3A_38 = arith.constant 0 : index
    %get3A_39 = vector.load %arg7[%get3A_37, %get3A_38] : memref<1x1xf32, #tpu.memory_space<vmem>>, vector<1x1xf32>
    %add3A_40 = vector.broadcast %get3A_39 : vector<1x1xf32> to vector<1000x1xf32>
    %add3A_41 = arith.addf %dot_general3A_36, %add3A_40 : vector<1000x1xf32>
    %swap3A = arith.constant 0 : index
    %swap3A_42 = arith.constant 0 : index
    %swap3A_43 = vector.load %arg8[%swap3A, %swap3A_42] : memref<1000x1xf32, #tpu.memory_space<vmem>>, vector<1000x1xf32>
    tpu.vector_store %arg8[%swap3A, %swap3A_42], %add3A_41 {strides = array<i32>} : memref<1000x1xf32, #tpu.memory_space<vmem>>, vector<1000x1xf32>,
    return
  }
  func.func @transform_0(%arg0: i32) -> (i32, i32, i32) {
    %c0_i32 = arith.constant 0 : i32
    %c0_i32_0 = arith.constant 0 : i32
    %c0_i32_1 = arith.constant 0 : i32
    return %c0_i32, %arg0, %c0_i32_0 : i32, i32, i32
  }
  func.func @transform_1(%arg0: i32) -> (i32, i32) {
    %c0_i32 = arith.constant 0 : i32
    %c0_i32_0 = arith.constant 0 : i32
    %c0_i32_1 = arith.constant 0 : i32
    return %c0_i32, %c0_i32_0 : i32, i32
  }
  func.func @transform_2(%arg0: i32) -> (i32, i32) {
    %c0_i32 = arith.constant 0 : i32
    %c0_i32_0 = arith.constant 0 : i32
    %c0_i32_1 = arith.constant 0 : i32
    return %c0_i32, %c0_i32_0 : i32, i32
  }
  func.func @transform_3(%arg0: i32) -> (i32, i32) {
    %c0_i32 = arith.constant 0 : i32
    %c0_i32_0 = arith.constant 0 : i32
    %c0_i32_1 = arith.constant 0 : i32
    return %c0_i32, %c0_i32_0 : i32, i32
  }
  func.func @transform_4(%arg0: i32) -> (i32, i32) {
    %c0_i32 = arith.constant 0 : i32
    %c0_i32_0 = arith.constant 0 : i32
    %c0_i32_1 = arith.constant 0 : i32
    return %c0_i32, %c0_i32_0 : i32, i32
  }
  func.func @transform_5(%arg0: i32) -> (i32, i32) {
    %c0_i32 = arith.constant 0 : i32
    %c0_i32_0 = arith.constant 0 : i32
    %c0_i32_1 = arith.constant 0 : i32
    return %c0_i32, %c0_i32_0 : i32, i32
  }
  func.func @transform_6(%arg0: i32) -> (i32, i32) {
    %c0_i32 = arith.constant 0 : i32
    %c0_i32_0 = arith.constant 0 : i32
    %c0_i32_1 = arith.constant 0 : i32
    return %c0_i32, %c0_i32_0 : i32, i32
  }
  func.func @transform_7(%arg0: i32) -> (i32, i32) {
    %c0_i32 = arith.constant 0 : i32
    %c0_i32_0 = arith.constant 0 : i32
    return %arg0, %c0_i32 : i32, i32
  }
}

module attributes {stable_mosaic.version = 14 : i64} {
  func.func @_mlp_body(%arg0: i32, %arg1: memref<2x1000x128xf32, #tpu.memory_space<vmem>>, %arg2: memref<2x1000x128xf32, #tpu.memory_space<vmem>>, %arg3: memref<256x256xf32, #tpu.memory_space<vmem>>, %arg4: memref<1x256xf32, #tpu.memory_space<vmem>>, %arg5: memref<256x256xf32, #tpu.memory_space<vmem>>, %arg6: memref<1x256xf32, #tpu.memory_space<vmem>>, %arg7: memref<2x1000x128xf32, #tpu.memory_space<vmem>>) attributes {dimension_semantics = [#tpu.dimension_semantics<arbitrary>], iteration_bounds = array<i64: 10>, scalar_prefetch = 0 : i64, scratch_operands = 0 : i64, tpu.core_type = #tpu.core_type<tc>, window_params = [{transform_indices = @transform_0, window_bounds = array<i64: 2, 1000, 128>}, {transform_indices = @transform_1, window_bounds = array<i64: 2, 1000, 128>}, {pipeline_mode = #tpu.pipeline_mode<synchronous>, transform_indices = @transform_2, window_bounds = array<i64: 256, 256>}, {pipeline_mode = #tpu.pipeline_mode<synchronous>, transform_indices = @transform_3, window_bounds = array<i64: 1, 256>}, {pipeline_mode = #tpu.pipeline_mode<synchronous>, transform_indices = @transform_4, window_bounds = array<i64: 256, 256>}, {pipeline_mode = #tpu.pipeline_mode<synchronous>, transform_indices = @transform_5, window_bounds = array<i64: 1, 256>}, {transform_indices = @transform_6, window_bounds = array<i64: 2, 1000, 128>}]} {
    %get3A = arith.constant 0 : index
    %get3A_0 = arith.constant 0 : index
    %get3A_1 = arith.constant 0 : index
    %get3A_2 = vector.load %arg1[%get3A, %get3A_0, %get3A_1] : memref<2x1000x128xf32, #tpu.memory_space<vmem>>, vector<1x1000x128xf32>
    %get3A_3 = vector.shape_cast %get3A_2 : vector<1x1000x128xf32> to vector<1000x128xf32>
    %get3A_4 = arith.constant 1 : index
    %get3A_5 = arith.constant 0 : index
    %get3A_6 = arith.constant 0 : index
    %get3A_7 = vector.load %arg1[%get3A_4, %get3A_5, %get3A_6] : memref<2x1000x128xf32, #tpu.memory_space<vmem>>, vector<1x1000x128xf32>
    %get3A_8 = vector.shape_cast %get3A_7 : vector<1x1000x128xf32> to vector<1000x128xf32>
    %concatenate3A = tpu.concatenate %get3A_3, %get3A_8 in 1 : vector<1000x128xf32>, vector<1000x128xf32> -> vector<1000x256xf32>
    %get3A_9 = arith.constant 0 : index
    %get3A_10 = arith.constant 0 : index
    %get3A_11 = arith.constant 0 : index
    %get3A_12 = vector.load %arg2[%get3A_9, %get3A_10, %get3A_11] : memref<2x1000x128xf32, #tpu.memory_space<vmem>>, vector<1x1000x128xf32>
    %get3A_13 = vector.shape_cast %get3A_12 : vector<1x1000x128xf32> to vector<1000x128xf32>
    %get3A_14 = arith.constant 1 : index
    %get3A_15 = arith.constant 0 : index
    %get3A_16 = arith.constant 0 : index
    %get3A_17 = vector.load %arg2[%get3A_14, %get3A_15, %get3A_16] : memref<2x1000x128xf32, #tpu.memory_space<vmem>>, vector<1x1000x128xf32>
    %get3A_18 = vector.shape_cast %get3A_17 : vector<1x1000x128xf32> to vector<1000x128xf32>
    %concatenate3A_19 = tpu.concatenate %get3A_13, %get3A_18 in 1 : vector<1000x128xf32>, vector<1000x128xf32> -> vector<1000x256xf32>
    %iota3A = tpu.iota {dimensions = array<i32: 0>} : vector<1000x1xi32>
    %eq3A = arith.constant 0 : i32
    %eq3A_20 = arith.cmpi eq, %arg0, %eq3A : i32
    %eq3A_21 = arith.constant 0 : i32
    %eq3A_22 = vector.broadcast %eq3A_21 : i32 to vector<1000x1xi32>
    %eq3A_23 = arith.cmpi eq, %iota3A, %eq3A_22 : vector<1000x1xi32>
    %and3A = vector.broadcast %eq3A_20 : i1 to vector<1000x1xi1>
    %and3A_24 = arith.andi %and3A, %eq3A_23 : vector<1000x1xi1>
    %jit3A = arith.constant 1.203200e+04 : f32
    %jit3A_25 = arith.constant 0.000000e+00 : f32
    %broadcast_in_dim3A = vector.broadcast %jit3A : f32 to vector<1000x1xf32>
    %broadcast_in_dim3A_26 = vector.broadcast %jit3A_25 : f32 to vector<1000x1xf32>
    %select_n3A = arith.select %and3A_24, %broadcast_in_dim3A, %broadcast_in_dim3A_26 : vector<1000x1xi1>, vector<1000x1xf32>
    %add3A = arith.addf %concatenate3A, %concatenate3A_19 : vector<1000x256xf32>
    %mul3A = vector.broadcast %select_n3A : vector<1000x1xf32> to vector<1000x256xf32>
    %mul3A_27 = arith.mulf %mul3A, %concatenate3A : vector<1000x256xf32>
    %sub3A = arith.subf %add3A, %mul3A_27 : vector<1000x256xf32>
    %get3A_28 = arith.constant 0 : index
    %get3A_29 = arith.constant 0 : index
    %get3A_30 = vector.load %arg3[%get3A_28, %get3A_29] : memref<256x256xf32, #tpu.memory_space<vmem>>, vector<256x256xf32>
    %dot_general3A = arith.constant dense<0.000000e+00> : vector<1000x256xf32>
    %dot_general3A_31 = tpu.matmul %sub3A, %get3A_30, %dot_general3A {dimension_numbers = #tpu.dot_dimension_numbers<[1], [0], [0], [1], [0, 0, 1, 1], [], []>, transpose_lhs_hint = false} : vector<1000x256xf32>, vector<256x256xf32>, vector<1000x256xf32> -> vector<1000x256xf32>
    %get3A_32 = arith.constant 0 : index
    %get3A_33 = arith.constant 0 : index
    %get3A_34 = vector.load %arg4[%get3A_32, %get3A_33] : memref<1x256xf32, #tpu.memory_space<vmem>>, vector<1x256xf32>
    %add3A_35 = vector.broadcast %get3A_34 : vector<1x256xf32> to vector<1000x256xf32>
    %add3A_36 = arith.addf %dot_general3A_31, %add3A_35 : vector<1000x256xf32>
    %max3A = arith.constant 0.000000e+00 : f32
    %max3A_37 = vector.broadcast %max3A : f32 to vector<1000x256xf32>
    %max3A_38 = arith.maximumf %add3A_36, %max3A_37 : vector<1000x256xf32>
    %get3A_39 = arith.constant 0 : index
    %get3A_40 = arith.constant 0 : index
    %get3A_41 = vector.load %arg5[%get3A_39, %get3A_40] : memref<256x256xf32, #tpu.memory_space<vmem>>, vector<256x256xf32>
    %dot_general3A_42 = arith.constant dense<0.000000e+00> : vector<1000x256xf32>
    %dot_general3A_43 = tpu.matmul %max3A_38, %get3A_41, %dot_general3A_42 {dimension_numbers = #tpu.dot_dimension_numbers<[1], [0], [0], [1], [0, 0, 1, 1], [], []>, transpose_lhs_hint = false} : vector<1000x256xf32>, vector<256x256xf32>, vector<1000x256xf32> -> vector<1000x256xf32>
    %get3A_44 = arith.constant 0 : index
    %get3A_45 = arith.constant 0 : index
    %get3A_46 = vector.load %arg6[%get3A_44, %get3A_45] : memref<1x256xf32, #tpu.memory_space<vmem>>, vector<1x256xf32>
    %add3A_47 = vector.broadcast %get3A_46 : vector<1x256xf32> to vector<1000x256xf32>
    %add3A_48 = arith.addf %dot_general3A_43, %add3A_47 : vector<1000x256xf32>
    %max3A_49 = arith.constant 0.000000e+00 : f32
    %max3A_50 = vector.broadcast %max3A_49 : f32 to vector<1000x256xf32>
    %max3A_51 = arith.maximumf %add3A_48, %max3A_50 : vector<1000x256xf32>
    %slice3A = vector.extract_strided_slice %max3A_51 {offsets = [0, 0], sizes = [1000, 128], strides = [1, 1]} : vector<1000x256xf32> to vector<1000x128xf32>
    %swap3A = arith.constant 0 : index
    %swap3A_52 = arith.constant 0 : index
    %swap3A_53 = arith.constant 0 : index
    %swap3A_54 = vector.load %arg7[%swap3A, %swap3A_52, %swap3A_53] : memref<2x1000x128xf32, #tpu.memory_space<vmem>>, vector<1x1000x128xf32>
    %swap3A_55 = vector.shape_cast %swap3A_54 : vector<1x1000x128xf32> to vector<1000x128xf32>
    %swap3A_56 = vector.shape_cast %slice3A : vector<1000x128xf32> to vector<1x1000x128xf32>
    tpu.vector_store %arg7[%swap3A, %swap3A_52, %swap3A_53], %swap3A_56 {strides = array<i32>} : memref<2x1000x128xf32, #tpu.memory_space<vmem>>, vector<1x1000x128xf32>,
    %slice3A_57 = vector.extract_strided_slice %max3A_51 {offsets = [0, 128], sizes = [1000, 128], strides = [1, 1]} : vector<1000x256xf32> to vector<1000x128xf32>
    %swap3A_58 = arith.constant 1 : index
    %swap3A_59 = arith.constant 0 : index
    %swap3A_60 = arith.constant 0 : index
    %swap3A_61 = vector.load %arg7[%swap3A_58, %swap3A_59, %swap3A_60] : memref<2x1000x128xf32, #tpu.memory_space<vmem>>, vector<1x1000x128xf32>
    %swap3A_62 = vector.shape_cast %swap3A_61 : vector<1x1000x128xf32> to vector<1000x128xf32>
    %swap3A_63 = vector.shape_cast %slice3A_57 : vector<1000x128xf32> to vector<1x1000x128xf32>
    tpu.vector_store %arg7[%swap3A_58, %swap3A_59, %swap3A_60], %swap3A_63 {strides = array<i32>} : memref<2x1000x128xf32, #tpu.memory_space<vmem>>, vector<1x1000x128xf32>,
    return
  }
  func.func @transform_0(%arg0: i32) -> (i32, i32, i32) {
    %c0_i32 = arith.constant 0 : i32
    %c0_i32_0 = arith.constant 0 : i32
    %c0_i32_1 = arith.constant 0 : i32
    return %c0_i32, %arg0, %c0_i32_0 : i32, i32, i32
  }
  func.func @transform_1(%arg0: i32) -> (i32, i32, i32) {
    %c0_i32 = arith.constant 0 : i32
    %c0_i32_0 = arith.constant 0 : i32
    %c0_i32_1 = arith.constant 0 : i32
    return %c0_i32, %arg0, %c0_i32_0 : i32, i32, i32
  }
  func.func @transform_2(%arg0: i32) -> (i32, i32) {
    %c0_i32 = arith.constant 0 : i32
    %c0_i32_0 = arith.constant 0 : i32
    %c0_i32_1 = arith.constant 0 : i32
    return %c0_i32, %c0_i32_0 : i32, i32
  }
  func.func @transform_3(%arg0: i32) -> (i32, i32) {
    %c0_i32 = arith.constant 0 : i32
    %c0_i32_0 = arith.constant 0 : i32
    %c0_i32_1 = arith.constant 0 : i32
    return %c0_i32, %c0_i32_0 : i32, i32
  }
  func.func @transform_4(%arg0: i32) -> (i32, i32) {
    %c0_i32 = arith.constant 0 : i32
    %c0_i32_0 = arith.constant 0 : i32
    %c0_i32_1 = arith.constant 0 : i32
    return %c0_i32, %c0_i32_0 : i32, i32
  }
  func.func @transform_5(%arg0: i32) -> (i32, i32) {
    %c0_i32 = arith.constant 0 : i32
    %c0_i32_0 = arith.constant 0 : i32
    %c0_i32_1 = arith.constant 0 : i32
    return %c0_i32, %c0_i32_0 : i32, i32
  }
  func.func @transform_6(%arg0: i32) -> (i32, i32, i32) {
    %c0_i32 = arith.constant 0 : i32
    %c0_i32_0 = arith.constant 0 : i32
    %c0_i32_1 = arith.constant 0 : i32
    return %c0_i32, %arg0, %c0_i32_0 : i32, i32, i32
  }
}

module attributes {stable_mosaic.version = 14 : i64} {
  func.func @_pool_body(%arg0: i32, %arg1: memref<10000x1xf32, #tpu.memory_space<vmem>>, %arg2: memref<1000x1xf32, #tpu.memory_space<vmem>>, %arg3: memref<2x1000x128xf32, #tpu.memory_space<vmem>>, %arg4: memref<256x256xf32, #tpu.memory_space<vmem>>, %arg5: memref<1x256xf32, #tpu.memory_space<vmem>>, %arg6: memref<256x4xf32, #tpu.memory_space<vmem>>, %arg7: memref<1x4xf32, #tpu.memory_space<vmem>>, %arg8: memref<1x4xf32, #tpu.memory_space<vmem>>, %arg9: memref<1x4xf32, #tpu.memory_space<vmem>>, %arg10: memref<1x1xi32, #tpu.memory_space<vmem>>, %arg11: memref<1x256xf32, #tpu.memory_space<vmem>>) attributes {dimension_semantics = [#tpu.dimension_semantics<arbitrary>], iteration_bounds = array<i64: 10>, scalar_prefetch = 0 : i64, scratch_operands = 1 : i64, tpu.core_type = #tpu.core_type<tc>, window_params = [{pipeline_mode = #tpu.pipeline_mode<synchronous>, transform_indices = @transform_0, window_bounds = array<i64: 10000, 1>}, {transform_indices = @transform_1, window_bounds = array<i64: 1000, 1>}, {transform_indices = @transform_2, window_bounds = array<i64: 2, 1000, 128>}, {pipeline_mode = #tpu.pipeline_mode<synchronous>, transform_indices = @transform_3, window_bounds = array<i64: 256, 256>}, {pipeline_mode = #tpu.pipeline_mode<synchronous>, transform_indices = @transform_4, window_bounds = array<i64: 1, 256>}, {pipeline_mode = #tpu.pipeline_mode<synchronous>, transform_indices = @transform_5, window_bounds = array<i64: 256, 4>}, {pipeline_mode = #tpu.pipeline_mode<synchronous>, transform_indices = @transform_6, window_bounds = array<i64: 1, 4>}, {pipeline_mode = #tpu.pipeline_mode<synchronous>, transform_indices = @transform_7, window_bounds = array<i64: 1, 4>}, {pipeline_mode = #tpu.pipeline_mode<synchronous>, transform_indices = @transform_8, window_bounds = array<i64: 1, 4>}, {pipeline_mode = #tpu.pipeline_mode<synchronous>, transform_indices = @transform_9, window_bounds = array<i64: 1, 1>}]} {
    %get3A = arith.constant 0 : index
    %get3A_0 = arith.constant 0 : index
    %get3A_1 = vector.load %arg1[%get3A, %get3A_0] : memref<10000x1xf32, #tpu.memory_space<vmem>>, vector<10000x1xf32>
    %reduce_max3A = vector.shape_cast %get3A_1 : vector<10000x1xf32> to vector<1x10000x1xf32>
    %reduce_max3A_2 = arith.constant dense<0xFF800000> : vector<1xf32>
    %reduce_max3A_3 = vector.multi_reduction <maximumf>, %reduce_max3A, %reduce_max3A_2 [1, 2] : vector<1x10000x1xf32> to vector<1xf32>
    %reduce_max3A_4 = vector.shape_cast %reduce_max3A_3 : vector<1xf32> to vector<1x1x1xf32>
    %reduce_max3A_5 = vector.extract %reduce_max3A_4[0, 0, 0] : f32 from vector<1x1x1xf32>
    %get3A_6 = arith.constant 0 : index
    %get3A_7 = arith.constant 0 : index
    %get3A_8 = vector.load %arg2[%get3A_6, %get3A_7] : memref<1000x1xf32, #tpu.memory_space<vmem>>, vector<1000x1xf32>
    %get3A_9 = arith.constant 0 : index
    %get3A_10 = arith.constant 0 : index
    %get3A_11 = arith.constant 0 : index
    %get3A_12 = vector.load %arg3[%get3A_9, %get3A_10, %get3A_11] : memref<2x1000x128xf32, #tpu.memory_space<vmem>>, vector<1x1000x128xf32>
    %get3A_13 = vector.shape_cast %get3A_12 : vector<1x1000x128xf32> to vector<1000x128xf32>
    %get3A_14 = arith.constant 1 : index
    %get3A_15 = arith.constant 0 : index
    %get3A_16 = arith.constant 0 : index
    %get3A_17 = vector.load %arg3[%get3A_14, %get3A_15, %get3A_16] : memref<2x1000x128xf32, #tpu.memory_space<vmem>>, vector<1x1000x128xf32>
    %get3A_18 = vector.shape_cast %get3A_17 : vector<1x1000x128xf32> to vector<1000x128xf32>
    %concatenate3A = tpu.concatenate %get3A_13, %get3A_18 in 1 : vector<1000x128xf32>, vector<1000x128xf32> -> vector<1000x256xf32>
    %sub3A = vector.broadcast %reduce_max3A_5 : f32 to vector<1000x1xf32>
    %sub3A_19 = arith.subf %get3A_8, %sub3A : vector<1000x1xf32>
    %exp3A = math.exp %sub3A_19 : vector<1000x1xf32>
    %mul3A = vector.broadcast %exp3A : vector<1000x1xf32> to vector<1000x256xf32>
    %mul3A_20 = arith.mulf %mul3A, %concatenate3A : vector<1000x256xf32>
    %reduce_sum3A = arith.constant dense<0.000000e+00> : vector<256xf32>
    %reduce_sum3A_21 = vector.multi_reduction <add>, %mul3A_20, %reduce_sum3A [0] : vector<1000x256xf32> to vector<256xf32>
    %broadcast_in_dim3A = vector.shape_cast %reduce_sum3A_21 : vector<256xf32> to vector<1x256xf32>
    %eq3A = arith.constant 0 : i32
    %eq3A_22 = arith.cmpi eq, %arg0, %eq3A : i32
    %convert_element_type3A = arith.extui %eq3A_22 : i1 to i32
    %cond3A = arith.constant 0 : i32
    %cond3A_23 = arith.cmpi ne, %convert_element_type3A, %cond3A : i32
    scf.if %cond3A_23 {
      %swap3A = arith.constant 0 : index
      %swap3A_33 = arith.constant 0 : index
      %swap3A_34 = vector.load %arg11[%swap3A, %swap3A_33] : memref<1x256xf32, #tpu.memory_space<vmem>>, vector<1x256xf32>
      tpu.vector_store %arg11[%swap3A, %swap3A_33], %broadcast_in_dim3A {strides = array<i32>} : memref<1x256xf32, #tpu.memory_space<vmem>>, vector<1x256xf32>,
    } else {
    }
    %gt3A = arith.constant 0 : i32
    %gt3A_24 = arith.cmpi sgt, %arg0, %gt3A : i32
    %convert_element_type3A_25 = arith.extui %gt3A_24 : i1 to i32
    %cond3A_26 = arith.constant 0 : i32
    %cond3A_27 = arith.cmpi ne, %convert_element_type3A_25, %cond3A_26 : i32
    scf.if %cond3A_27 {
      %get3A_33 = arith.constant 0 : index
      %get3A_34 = arith.constant 0 : index
      %get3A_35 = vector.load %arg11[%get3A_33, %get3A_34] : memref<1x256xf32, #tpu.memory_space<vmem>>, vector<1x256xf32>
      %add3A = arith.addf %get3A_35, %broadcast_in_dim3A : vector<1x256xf32>
      %swap3A = arith.constant 0 : index
      %swap3A_36 = arith.constant 0 : index
      %swap3A_37 = vector.load %arg11[%swap3A, %swap3A_36] : memref<1x256xf32, #tpu.memory_space<vmem>>, vector<1x256xf32>
      tpu.vector_store %arg11[%swap3A, %swap3A_36], %add3A {strides = array<i32>} : memref<1x256xf32, #tpu.memory_space<vmem>>, vector<1x256xf32>,
    } else {
    }
    %eq3A_28 = arith.constant 9 : i32
    %eq3A_29 = arith.cmpi eq, %arg0, %eq3A_28 : i32
    %convert_element_type3A_30 = arith.extui %eq3A_29 : i1 to i32
    %cond3A_31 = arith.constant 0 : i32
    %cond3A_32 = arith.cmpi ne, %convert_element_type3A_30, %cond3A_31 : i32
    scf.if %cond3A_32 {
      %sub3A_33 = vector.broadcast %reduce_max3A_5 : f32 to vector<10000x1xf32>
      %sub3A_34 = arith.subf %get3A_1, %sub3A_33 : vector<10000x1xf32>
      %exp3A_35 = math.exp %sub3A_34 : vector<10000x1xf32>
      %reduce_sum3A_36 = vector.shape_cast %exp3A_35 : vector<10000x1xf32> to vector<1x10000x1xf32>
      %reduce_sum3A_37 = arith.constant dense<0.000000e+00> : vector<1xf32>
      %reduce_sum3A_38 = vector.multi_reduction <add>, %reduce_sum3A_36, %reduce_sum3A_37 [1, 2] : vector<1x10000x1xf32> to vector<1xf32>
      %reduce_sum3A_39 = vector.shape_cast %reduce_sum3A_38 : vector<1xf32> to vector<1x1x1xf32>
      %reduce_sum3A_40 = vector.extract %reduce_sum3A_39[0, 0, 0] : f32 from vector<1x1x1xf32>
      %get3A_41 = arith.constant 0 : index
      %get3A_42 = arith.constant 0 : index
      %get3A_43 = vector.load %arg11[%get3A_41, %get3A_42] : memref<1x256xf32, #tpu.memory_space<vmem>>, vector<1x256xf32>
      %div3A = vector.broadcast %reduce_sum3A_40 : f32 to vector<1x256xf32>
      %div3A_44 = arith.divf %get3A_43, %div3A : vector<1x256xf32>
      %get3A_45 = arith.constant 0 : index
      %get3A_46 = arith.constant 0 : index
      %get3A_47 = vector.load %arg4[%get3A_45, %get3A_46] : memref<256x256xf32, #tpu.memory_space<vmem>>, vector<256x256xf32>
      %dot_general3A = arith.constant dense<0.000000e+00> : vector<1x256xf32>
      %dot_general3A_48 = tpu.matmul %div3A_44, %get3A_47, %dot_general3A {dimension_numbers = #tpu.dot_dimension_numbers<[1], [0], [0], [1], [0, 0, 1, 1], [], []>, transpose_lhs_hint = false} : vector<1x256xf32>, vector<256x256xf32>, vector<1x256xf32> -> vector<1x256xf32>
      %get3A_49 = arith.constant 0 : index
      %get3A_50 = arith.constant 0 : index
      %get3A_51 = vector.load %arg5[%get3A_49, %get3A_50] : memref<1x256xf32, #tpu.memory_space<vmem>>, vector<1x256xf32>
      %add3A = arith.addf %dot_general3A_48, %get3A_51 : vector<1x256xf32>
      %max3A = arith.constant 0.000000e+00 : f32
      %max3A_52 = vector.broadcast %max3A : f32 to vector<1x256xf32>
      %max3A_53 = arith.maximumf %add3A, %max3A_52 : vector<1x256xf32>
      %get3A_54 = arith.constant 0 : index
      %get3A_55 = arith.constant 0 : index
      %get3A_56 = vector.load %arg6[%get3A_54, %get3A_55] : memref<256x4xf32, #tpu.memory_space<vmem>>, vector<256x4xf32>
      %dot_general3A_57 = arith.constant dense<0.000000e+00> : vector<1x4xf32>
      %dot_general3A_58 = tpu.matmul %max3A_53, %get3A_56, %dot_general3A_57 {dimension_numbers = #tpu.dot_dimension_numbers<[1], [0], [0], [1], [0, 0, 1, 1], [], []>, transpose_lhs_hint = false} : vector<1x256xf32>, vector<256x4xf32>, vector<1x4xf32> -> vector<1x4xf32>
      %get3A_59 = arith.constant 0 : index
      %get3A_60 = arith.constant 0 : index
      %get3A_61 = vector.load %arg7[%get3A_59, %get3A_60] : memref<1x4xf32, #tpu.memory_space<vmem>>, vector<1x4xf32>
      %add3A_62 = arith.addf %dot_general3A_58, %get3A_61 : vector<1x4xf32>
      %swap3A = arith.constant 0 : index
      %swap3A_63 = arith.constant 0 : index
      %swap3A_64 = vector.load %arg8[%swap3A, %swap3A_63] : memref<1x4xf32, #tpu.memory_space<vmem>>, vector<1x4xf32>
      tpu.vector_store %arg8[%swap3A, %swap3A_63], %add3A_62 {strides = array<i32>} : memref<1x4xf32, #tpu.memory_space<vmem>>, vector<1x4xf32>,
      %reduce_max3A_65 = vector.shape_cast %add3A_62 : vector<1x4xf32> to vector<1x1x4xf32>
      %reduce_max3A_66 = arith.constant dense<0xFF800000> : vector<1xf32>
      %reduce_max3A_67 = vector.multi_reduction <maximumf>, %reduce_max3A_65, %reduce_max3A_66 [1, 2] : vector<1x1x4xf32> to vector<1xf32>
      %reduce_max3A_68 = vector.shape_cast %reduce_max3A_67 : vector<1xf32> to vector<1x1x1xf32>
      %reduce_max3A_69 = vector.extract %reduce_max3A_68[0, 0, 0] : f32 from vector<1x1x1xf32>
      %sub3A_70 = vector.broadcast %reduce_max3A_69 : f32 to vector<1x4xf32>
      %sub3A_71 = arith.subf %add3A_62, %sub3A_70 : vector<1x4xf32>
      %exp3A_72 = math.exp %sub3A_71 : vector<1x4xf32>
      %reduce_sum3A_73 = vector.shape_cast %exp3A_72 : vector<1x4xf32> to vector<1x1x4xf32>
      %reduce_sum3A_74 = arith.constant dense<0.000000e+00> : vector<1xf32>
      %reduce_sum3A_75 = vector.multi_reduction <add>, %reduce_sum3A_73, %reduce_sum3A_74 [1, 2] : vector<1x1x4xf32> to vector<1xf32>
      %reduce_sum3A_76 = vector.shape_cast %reduce_sum3A_75 : vector<1xf32> to vector<1x1x1xf32>
      %reduce_sum3A_77 = vector.extract %reduce_sum3A_76[0, 0, 0] : f32 from vector<1x1x1xf32>
      %div3A_78 = vector.broadcast %reduce_sum3A_77 : f32 to vector<1x4xf32>
      %div3A_79 = arith.divf %exp3A_72, %div3A_78 : vector<1x4xf32>
      %swap3A_80 = arith.constant 0 : index
      %swap3A_81 = arith.constant 0 : index
      %swap3A_82 = vector.load %arg9[%swap3A_80, %swap3A_81] : memref<1x4xf32, #tpu.memory_space<vmem>>, vector<1x4xf32>
      tpu.vector_store %arg9[%swap3A_80, %swap3A_81], %div3A_79 {strides = array<i32>} : memref<1x4xf32, #tpu.memory_space<vmem>>, vector<1x4xf32>,
      %iota3A = tpu.iota {dimensions = array<i32: 1>} : vector<1x4xi32>
      %eq3A_83 = vector.broadcast %reduce_max3A_69 : f32 to vector<1x4xf32>
      %eq3A_84 = arith.cmpf oeq, %add3A_62, %eq3A_83 : vector<1x4xf32>
      %jit3A = arith.constant 4 : i32
      %broadcast_in_dim3A_85 = vector.broadcast %jit3A : i32 to vector<1x4xi32>
      %select_n3A = arith.select %eq3A_84, %iota3A, %broadcast_in_dim3A_85 : vector<1x4xi1>, vector<1x4xi32>
      %reduce_min3A = arith.constant dense<2147483647> : vector<1xi32>
      %reduce_min3A_86 = vector.multi_reduction <minsi>, %select_n3A, %reduce_min3A [1] : vector<1x4xi32> to vector<1xi32>
      %broadcast_in_dim3A_87 = vector.shape_cast %reduce_min3A_86 : vector<1xi32> to vector<1x1xi32>
      %swap3A_88 = arith.constant 0 : index
      %swap3A_89 = arith.constant 0 : index
      %swap3A_90 = vector.load %arg10[%swap3A_88, %swap3A_89] : memref<1x1xi32, #tpu.memory_space<vmem>>, vector<1x1xi32>
      tpu.vector_store %arg10[%swap3A_88, %swap3A_89], %broadcast_in_dim3A_87 {strides = array<i32>} : memref<1x1xi32, #tpu.memory_space<vmem>>, vector<1x1xi32>,
    } else {
    }
    return
  }
  func.func @transform_0(%arg0: i32) -> (i32, i32) {
    %c0_i32 = arith.constant 0 : i32
    %c0_i32_0 = arith.constant 0 : i32
    %c0_i32_1 = arith.constant 0 : i32
    return %c0_i32, %c0_i32_0 : i32, i32
  }
  func.func @transform_1(%arg0: i32) -> (i32, i32) {
    %c0_i32 = arith.constant 0 : i32
    %c0_i32_0 = arith.constant 0 : i32
    return %arg0, %c0_i32 : i32, i32
  }
  func.func @transform_2(%arg0: i32) -> (i32, i32, i32) {
    %c0_i32 = arith.constant 0 : i32
    %c0_i32_0 = arith.constant 0 : i32
    %c0_i32_1 = arith.constant 0 : i32
    return %c0_i32, %arg0, %c0_i32_0 : i32, i32, i32
  }
  func.func @transform_3(%arg0: i32) -> (i32, i32) {
    %c0_i32 = arith.constant 0 : i32
    %c0_i32_0 = arith.constant 0 : i32
    %c0_i32_1 = arith.constant 0 : i32
    return %c0_i32, %c0_i32_0 : i32, i32
  }
  func.func @transform_4(%arg0: i32) -> (i32, i32) {
    %c0_i32 = arith.constant 0 : i32
    %c0_i32_0 = arith.constant 0 : i32
    %c0_i32_1 = arith.constant 0 : i32
    return %c0_i32, %c0_i32_0 : i32, i32
  }
  func.func @transform_5(%arg0: i32) -> (i32, i32) {
    %c0_i32 = arith.constant 0 : i32
    %c0_i32_0 = arith.constant 0 : i32
    %c0_i32_1 = arith.constant 0 : i32
    return %c0_i32, %c0_i32_0 : i32, i32
  }
  func.func @transform_6(%arg0: i32) -> (i32, i32) {
    %c0_i32 = arith.constant 0 : i32
    %c0_i32_0 = arith.constant 0 : i32
    %c0_i32_1 = arith.constant 0 : i32
    return %c0_i32, %c0_i32_0 : i32, i32
  }
  func.func @transform_7(%arg0: i32) -> (i32, i32) {
    %c0_i32 = arith.constant 0 : i32
    %c0_i32_0 = arith.constant 0 : i32
    %c0_i32_1 = arith.constant 0 : i32
    return %c0_i32, %c0_i32_0 : i32, i32
  }
  func.func @transform_8(%arg0: i32) -> (i32, i32) {
    %c0_i32 = arith.constant 0 : i32
    %c0_i32_0 = arith.constant 0 : i32
    %c0_i32_1 = arith.constant 0 : i32
    return %c0_i32, %c0_i32_0 : i32, i32
  }
  func.func @transform_9(%arg0: i32) -> (i32, i32) {
    %c0_i32 = arith.constant 0 : i32
    %c0_i32_0 = arith.constant 0 : i32
    %c0_i32_1 = arith.constant 0 : i32
    return %c0_i32, %c0_i32_0 : i32, i32
  }
}

</mosaic_0001>

<sc_bundles>
// kernel: kernel.10.cloned.1.call-start
scs
__scs_entry_jumppad:
0x0: {  	(pc) =	sbr.rel $0x88, $3  }
0x1: {  	(tag) =	ssettag $0x0;
	lr =	simm.s32 $0x1  }
0x2: {  	[smem:$0x3F89] =	sst lr;
	_ =	strace $0xD0000000  }
0x3: {  	_ = 	snop  }
0x4: {  	_ = 	snop  }
0x5: {  	_ = 	snop  }
0x6: {  	_ = 	snop  }
0x7: {  	_ = 	snop  }
__scs_overlays_trampoline_lowered:
0x8: {  	[smem:$0x3F98] =	sst s0  }
0x9: {  	[smem:$0x3F99] =	sst s1  }
0xa: {  	[smem:$0x3F9A] =	sst s2  }
0xb: {  	[smem:$0x3F9B] =	sst s3  }
0xc: {  	[smem:$0x3F9C] =	sst s4  }
0xd: {  	[smem:$0x3F9D] =	sst s5  }
0xe: {  	[smem:$0x3F9E] =	sst s6  }
0xf: {  	[smem:$0x3F9F] =	sst s7  }
0x10: {  	[smem:$0x3FA0] =	sst s8  }
0x11: {  	[smem:$0x3FA1] =	sst s9;
	s0 =	simm.s32 @!p0 $0x0  }
0x12: {  	s1 =	sld [smem:$0x3F87];
	s0 =	simm.s32 @p0 $0x1  }
0x13: {  	[smem:$0x3FA2] =	sst s0;
	s0 =	simm.s32 @!p1 $0x0  }
0x14: {  	s2 =	sld [smem:$0x3F86];
	s0 =	simm.s32 @p1 $0x1  }
0x15: {  	[smem:$0x3FA3] =	sst s0;
	s0 =	simm.s32 @!p2 $0x0  }
0x16: {  	s3 =	sld [smem:$0x3FDB];
	s0 =	simm.s32 @p2 $0x1  }
0x17: {  	s4 =	simm.s32 $0x1BF5;
	[smem:$0x3FA5] =	sst s0  }
0x18: {  	s0 =	sld [smem:$0x3F88];
	_ =	swait.ge [sflag:s4], $0x0  }
0x19: {  	s7 =	sld [smem:$0x3F89]  }
0x1a: {  	s8 =	sadd.s32 $0xFFFFE003, lr  }
0x1b: {  	s9 =	sadd.s32 $0xFFFFFEF7, lr;
	s5 =	simm.s32 $0xFFFFFFFF;
	p2 =	slt.u32 s8, $0xFFFFF086  }
0x1c: {  	p1 =	slt.u32 s9, $0xF7A;
	s5 =	simm.s32 @!p2 $0x0  }
0x1d: {  	s5 =	simm.s32 @p1 $0x1;
	p0 =	seq.s32 s7, s2  }
0x1e: {  	s7 =	smul.u32 @!p0 $0xF7A, s2;
	p2 =	seq.s32 @!p0 s5, $0x0  }
0x1f: {  	s9 =	smul.u32 $0xF7A, s1;
	s8 =	simm.s32 @!p0 $0x1BF5;
	p2 =	por !p2, p0  }
0x20: {  	[sflag:s8] =	ssyncset.s32 @!p0 $0xFFFFF086;
	s6 =	sadd.s32 @!p0 s3, s7;
	s7 =	simm.s32 @!p0 $0x108  }
0x21: {  	s3 =	sadd.s32 s3, s9;
	s6 =	sadd.s32 @!p0 $0x88, s6;
	s7 =	simm.s32 @p2 $0x1082  }
0x22: {  	[simem:s7], [sflag:s8] =	dma.local @!p0 [hbm:s6], $0xF7A  }
0x23: {  	s9 =	sor.u32 $0xD0000000, s2;
	s6 =	simm.s32 $0x108;
	_ =	swait.ge @!p0 [sflag:s8], $0x0  }
0x24: {  	s3 =	sadd.s32 $0x88, s3;
	s6 =	simm.s32 @!p1 $0x1082;
	[sflag:s4] =	ssyncset.s32 $0xFFFFF086  }
0x25: {  	[simem:s6], [sflag:s4] =	dma.local [hbm:s3], $0xF7A  }
0x26: {  	[smem:$0x3F89] =	sst s1;
	(tag) =	ssettag s2;
	_ =	strace s9  }
0x27: {  	s1 =	sld [smem:$0x3F99]  }
0x28: {  	s2 =	sld [smem:$0x3F9A]  }
0x29: {  	s4 =	sld [smem:$0x3F9C]  }
0x2a: {  	p0 =	seq.s32 s5, $0x0;
	s5 =	sld [smem:$0x3F9D]  }
0x2b: {  	s6 =	sld [smem:$0x3F9E]  }
0x2c: {  	s7 =	sld [smem:$0x3F9F]  }
0x2d: {  	s3 =	simm.s32 $0x108;
	s8 =	sld [smem:$0x3FA0]  }
0x2e: {  	s3 =	simm.s32 @!p0 $0x1082;
	s9 =	sld [smem:$0x3FA1]  }
0x2f: {  	lr =	sadd.s32 s0, s3;
	s0 =	sld [smem:$0x3F98]  }
0x30: {  	s3 =	sld [smem:$0x3F9B]  }
0x31: {  	[smem:$0x3FA4] =	sst s10  }
0x32: {  	s10 =	sld [smem:$0x3FA2];
	_ =	sdelay $0x3  }
0x33: {  	p0 =	seq.s32 s10, $0x1;
	s10 =	sld [smem:$0x3FA4];
	_ =	sdelay $0x3  }
0x34: {  	[smem:$0x3FA4] =	sst s10  }
0x35: {  	s10 =	sld [smem:$0x3FA3];
	_ =	sdelay $0x3  }
0x36: {  	p1 =	seq.s32 s10, $0x1;
	s10 =	sld [smem:$0x3FA4];
	_ =	sdelay $0x3  }
0x37: {  	[smem:$0x3FA4] =	sst s10  }
0x38: {  	s10 =	sld [smem:$0x3FA5]  }
0x39: {  	_ = 	snop;
	(pc) =	sbr.ind lr, $3  }
0x3a: {  	_ = 	snop  }
0x3b: {  	_ = 	snop  }
0x3c: {  	p2 =	seq.s32 s10, $0x1;
	s10 =	sld [smem:$0x3FA4]  }
0x3d: {  	_ =	shalt  }
0x3e: {  	_ =	shalt  }
0x3f: {  	_ =	shalt  }
0x40: {  	_ =	shalt  }
0x41: {  	_ =	shalt  }
0x42: {  	_ =	shalt  }
0x43: {  	_ =	shalt  }
0x44: {  	_ =	shalt  }
0x45: {  	_ =	shalt  }
0x46: {  	_ =	shalt  }
0x47: {  	_ =	shalt  }
0x48: {  	_ =	shalt  }
0x49: {  	_ =	shalt  }
0x4a: {  	_ =	shalt  }
0x4b: {  	_ =	shalt  }
0x4c: {  	_ =	shalt  }
0x4d: {  	_ =	shalt  }
0x4e: {  	_ =	shalt  }
0x4f: {  	_ =	shalt  }
0x50: {  	_ =	shalt  }
0x51: {  	_ =	shalt  }
0x52: {  	_ =	shalt  }
0x53: {  	_ =	shalt  }
0x54: {  	_ =	shalt  }
0x55: {  	_ =	shalt  }
0x56: {  	_ =	shalt  }
0x57: {  	_ =	shalt  }
0x58: {  	_ =	shalt  }
0x59: {  	_ =	shalt  }
0x5a: {  	_ =	shalt  }
0x5b: {  	_ =	shalt  }
0x5c: {  	_ =	shalt  }
0x5d: {  	_ =	shalt  }
0x5e: {  	_ =	shalt  }
0x5f: {  	_ =	shalt  }
0x60: {  	_ =	shalt  }
0x61: {  	_ =	shalt  }
0x62: {  	_ =	shalt  }
0x63: {  	_ =	shalt  }
0x64: {  	_ =	shalt  }
0x65: {  	_ =	shalt  }
0x66: {  	_ =	shalt  }
0x67: {  	_ =	shalt  }
0x68: {  	_ =	shalt  }
0x69: {  	_ =	shalt  }
0x6a: {  	_ =	shalt  }
0x6b: {  	_ =	shalt  }
0x6c: {  	_ =	shalt  }
0x6d: {  	_ =	shalt  }
0x6e: {  	_ =	shalt  }
0x6f: {  	_ =	shalt  }
0x70: {  	_ =	shalt  }
0x71: {  	_ =	shalt  }
0x72: {  	_ =	shalt  }
0x73: {  	_ =	shalt  }
0x74: {  	_ =	shalt  }
0x75: {  	_ =	shalt  }
0x76: {  	_ =	shalt  }
0x77: {  	_ =	shalt  }
0x78: {  	_ =	shalt  }
0x79: {  	_ =	shalt  }
0x7a: {  	_ =	shalt  }
0x7b: {  	_ =	shalt  }
0x7c: {  	_ =	shalt  }
0x7d: {  	_ =	shalt  }
0x7e: {  	_ =	shalt  }
0x7f: {  	_ =	shalt  }
0x80: {  	_ =	shalt  }
0x81: {  	_ =	shalt  }
0x82: {  	_ =	shalt  }
0x83: {  	_ =	shalt  }
0x84: {  	_ =	shalt  }
0x85: {  	_ =	shalt  }
0x86: {  	_ =	shalt  }
0x87: {  	_ =	shalt  }
.Lfunc_end0:
.L_simem_size_0:
called_computation_lowered:
.L_overlay_start_0:
0x88: {  	s2 =	sld [smem:$0x3FD9]  }
0x89: {  	s3 =	sld [smem:$0x3FFE];
	_ =	sdelay $0x1  }
0x8a: {  	s1 =	srdreg.scid  }
0x8b: {  	s0 =	sand.u32 $0x1, s1  }
0x8c: {  	s16 =	sshll.u32 s0, $0xA;
	s2 =	sadd.s32 s3, s2  }
0x8d: {  	s2 =	sadd.s32 s2, s16  }
0x8e: {  	[smem:$0x3FB0] =	sst s2  }
0x8f: {  	_ = 	snop  }
0x90: {  	(tm) =	ssettm $0x1  }
0x91: {  	s17 =	sld [smem:$0x3FFB];
	_ =	sdelay $0x3  }
0x92: {  	_ =	strace s17  }
0x93: {  	s2 =	sld [smem:$0x3FFC];
	_ =	sdelay $0x3  }
0x94: {  	_ =	strace s2  }
0x95: {  	s2 =	sld [smem:$0x3FFD];
	_ =	sdelay $0x3  }
0x96: {  	_ =	strace s2  }
0x97: {  	_ =	strace $0x8FFFFFFF  }
0x98: {  	s18 =	sld [smem:$0x3FDB];
	_ =	sdelay $0x1  }
0x99: {  	s19 =	simm.s32 $_scs_section_size  }
0x9a: {  	s4 =	simm.s32 $_size__tile_overlayer_lowered;
	s5 =	simm.s32 $_tile_overlayer_lowered  }
0x9b: {  	s22 =	simm.s32 $0x1BFF;
	s21 =	sshll.u32 s5, $0x1;
	s2 =	sadd.s32 s19, s18  }
0x9c: {  	s6 =	simm.s32 $0x0;
	s20 =	sshll.u32 s4, $0x1;
	s4 =	sadd.s32 s21, s2  }
0x9d: {  	[timem:s6], [sflag:s22] =	dma.local [hbm:s4], s20  }
0x9e: {  	_ =	swait.ge [sflag:s22], s20  }
0x9f: {  	s3 =	ssub.s32 $0x0, s20;
	[sflag:s22] =	ssyncset.done $0x0  }
0xa0: {  	[sflag:s22] =	ssyncadd.s32 s3;
	_ =	sdelay $0x1  }
0xa1: {  	s23 =	simm.s32 $0x1B8B  }
0xa2: {  	_ =	swait.ge [sflag:s23], $0x1  }
0xa3: {  	[sflag:s23] =	ssyncset.done $0x0  }
0xa4: {  	s25 =	simm.s32 $0x1B8E;
	s24 =	sld [smem:$0x3FFE];
	[sflag:s23] =	ssyncadd.s32 $0xFFFFFFFF  }
0xa5: {  	s26 =	simm.s32 $execute0_lowered;
	[smem:$0x3FD2] =	sst s25  }
0xa6: {  	s4 =	sshll.u32 s26, $0x1;
	_ =	strace $0x80000046;
	[dreg:$0x1] =	wrdreg $0xFFFFFFFF  }
0xa7: {  	s28 =	simm.s32 $_size_execute0_lowered;
	s2 =	sadd.s32 s2, s4;
	[dreg:$0x0] =	wrdreg $0x0  }
0xa8: {  	s4 =	sshll.u32 s28, $0x1;
	[dreg:$0x2] =	wrdreg s2  }
0xa9: {  	[dreg:$0x3] =	wrdreg s4  }
0xaa: {  	[dreg:$0x4] =	wrdreg $0xC0  }
0xab: {  	_ =	task [dreg:s6], $0x5FFFF  }
0xac: {  	[dreg:$0x1] =	wrdreg $0xFFFFFFFF  }
0xad: {  	[dreg:$0x0] =	wrdreg $0x60  }
0xae: {  	[dreg:$0x2] =	wrdreg s24  }
0xaf: {  	[dreg:$0x3] =	wrdreg $0x134000  }
0xb0: {  	[dreg:$0x4] =	wrdreg $0x9  }
0xb1: {  	_ =	task.clear_ibuf [dreg:s6], $0x5FFFF;
	_ =	strace $0x90000046  }
0xb2: {  	s29 =	simm.s32 $0x9;
	_ =	strace $0x80000048  }
0xb3: {  	_ =	swait.ge [sflag:s29], $0x1  }
0xb4: {  	[sflag:s29] =	ssyncadd.s32 $0xFFFFFFFF  }
0xb5: {  	_ =	strace $0x90000048  }
0xb6: {  	_ =	sfence  }
0xb7: {  	s30 =	sld [smem:$0x0];
	_ =	sdelay $0x2  }
0xb8: {  	s31 =	sshll.u32 s1, $0xD;
	s1 =	sshrl.u32 s1, $0x2  }
0xb9: {  	s3 =	sand.u32 $0x4000, s31;
	s1 =	sadd.s32 s1, s30  }
0xba: {  	s0 =	sor.u32 s3, s0;
	s1 =	sshll.u32 s1, $0x11  }
0xbb: {  	s0 =	sor.u32 s1, s0  }
0xbc: {  	s0 =	sadd.s32 $0x8F2B, s0  }
0xbd: {  	[sflag:s0] =	ssyncadd.remote.s32 $0x1  }
0xbe: {  	_ =	sfence.sel $0xFFFF  }
0xbf: {  	[dreg:$0x0] =	wrdreg $0xFFFFFFFF;
	(pc) =	sbr.abs _section_cstart, $3  }
0xc0: {  	[dreg:$0x1] =	wrdreg $0xFFFFFFFF  }
0xc1: {  	_ =	task.clear_ibuf [dreg:s6], $0x2FFFF;
	_ =	strace $0x9FFFFFFF  }
0xc2: {  	(tm) =	ssettm $0x7FFFFFFF  }
0xc3: {  	_ =	shalt  }
tec
execute0_lowered:
.L_overlay_start_1:
0x0: {  	(tag) =	ssettag $0x1  }
0x1: {  	s5 =	rddreg [dreg:$0x0]  }
0x2: {  	s18 =	rddreg [dreg:$0x1]  }
0x3: {  	s0 =	rddreg [dreg:$0x2];
	s2 =	simm.s32 $0x0;
	s1 =	stileid.u32  }
0x4: {  	s3 =	srdreg.scid;
	s11 =	simm.s32 $0xE0;
	s12 =	simm.s32 $0xC400  }
0x5: {  	s13 =	simm.s32 $0x1;
	s14 =	simm.s32 $0x2;
	s15 =	simm.s32 $0x2920  }
0x6: {  	s19 =	simm.s32 $0x0;
	[smem:$0x7FF] =	sst s2;
	s4 =	smul.u32 $0x540, s1  }
0x7: {  	s6 =	sand.u32 $0x1, s3;
	s3 =	sadd.s32 $0xEE00, s5;
	s17 =	smul.u32 $0x2710, s1  }
0x8: {  	s31 =	sshll.u32 s1, $0x6;
	s18 =	sshrl.u32 s18, $0x3;
	s7 =	smul.u32 $0x27100, s6  }
0x9: {  	_ =	strace $0x80000047;
	s8 =	ssub.s32 $0x2, s6;
	s6 =	smul.u32 $0x5400, s6  }
0xa: {  	s9 =	sadd.s32 s4, s5;
	s4 =	sadd.s32 $0x62400, s5;
	s10 =	sshrl.u32 s8, $0x1  }
0xb: {  	s7 =	sadd.s32 s7, s5;
	s8 =	ssub.s32 s8, s10;
	s30 =	sadd.s32 s6, s9  }
0xc: {  	s6 =	sadd.s32 $0x5D000, s9;
	s9 =	simm.s32 $0x2A00;
	s10 =	simm.s32 $0x5400  }
0xd: {  	s5 =	sadd.s32 $0x4600, s30;
	s16 =	sadd.s32 $0x63200, s7;
	s7 =	smax.u32 s8, $0x1  }
0xe: {  	s8 =	simm.s32 $0x3;
	s16 =	sadd.s32 s17, s16;
	s17 =	sor.u32 $0x1C03, s31  }
.LBB2_1:
0xf: {  	[tilespmem:s2], [sflag:$0x3] =	stream.linear.gather [hbm4b:s5+s2], $0x2A00, $0x38;
	[tilespmem:$0x14400] =	vst v63  }
0x10: {  	_ =	swait.ge [sflag:s8], $0x2A00  }
0x11: {  	[sflag:s8] =	ssyncset.done $0x0  }
0x12: {  	[sflag:s8] =	ssyncadd.s32 $0xFFFFD600  }
0x13: {  	[tilespmem:s9], [sflag:$0x3] =	stream.linear.gather [hbm4b:s6+s2], $0x2A00, $0x38;
	[tilespmem:$0x14400] =	vst v63  }
0x14: {  	_ =	swait.ge [sflag:s8], $0x2A00  }
0x15: {  	[sflag:s8] =	ssyncset.done $0x0  }
0x16: {  	[sflag:s8] =	ssyncadd.s32 $0xFFFFD600  }
0x17: {  	[tilespmem:s10], [sflag:$0x3] =	stream.linear.gather [hbm4b:s4+s2], $0x7000, $0x38;
	[tilespmem:$0x14400] =	vst v63  }
0x18: {  	_ =	swait.ge [sflag:s8], $0x7000  }
0x19: {  	[sflag:s8] =	ssyncset.done $0x0  }
0x1a: {  	[sflag:s8] =	ssyncadd.s32 $0xFFFF9000  }
0x1b: {  	[bflag:$0x0] =	sbarrier.arrive $0xFFFF  }
0x1c: {  	[tilespmem:s10], [sflag:$0x1] =	stream.indirect.gather [hbm4b:s3+s11], $0x80, s2, s11, $0xb8;
	[tilespmem:$0x14400] =	vst v63  }
0x1d: {  	s20 =	simm.s32 $0xE0  }
0x1e: {  	[tilespmem:s12], [sflag:$0x2] =	stream.indirect.gather [hbm4b:s3+s11], $0x80, s20, s11, $0xb8;
	[tilespmem:$0x14400] =	vst v63  }
0x1f: {  	_ =	swait.ge [sflag:s13], $0x7000  }
0x20: {  	[sflag:s13] =	ssyncset.done $0x0  }
0x21: {  	s31 =	simm.s32 $0x1C0;
	[sflag:s13] =	ssyncadd.s32 $0xFFFF9000  }
0x22: {  	[tilespmem:s10], [sflag:$0x1] =	stream.indirect.gather [hbm4b:s3+s11], $0x80, s31, s11, $0xb8;
	[tilespmem:$0x14400] =	vst v63  }
0x23: {  	_ =	swait.ge [sflag:s14], $0x7000  }
0x24: {  	s21 =	simm.s32 $0xFFFF6D00;
	s20 =	simm.s32 $0xFFFFD980;
	[sflag:s14] =	ssyncset.done $0x0  }
.LBB2_2:
0x25: {  	s22 =	sadd.s32 $0x2920, s20  }
0x26: {  	[sflag:s14] =	ssyncadd.s32 $0xFFFF9000;
	s23 =	smov.u32 s21;
	s24 =	sadd.s32 $0x700, s21  }
0x27: {  	[tilespmem:s12], [sflag:$0x2] =	stream.indirect.gather [hbm4b:s3+s11], $0x80, s22, s11, $0xb8;
	[tilespmem:$0x14400] =	vst v63  }
0x28: {  	p0 =	sne.s32 s21, $0xFFFFF900;
	_ =	swait.ge [sflag:s13], $0x7000  }
.Ltmp0:
0x29: {  	[sflag:s13] =	ssyncset.done $0x0;
	(pc) =	sbr.rel @p0 .LBB2_2-.Ltmp0, $4  }
0x2a: {  	s20 =	sadd.s32 $0x2A00, s20;
	[sflag:s13] =	ssyncadd.s32 $0xFFFF9000  }
0x2b: {  	[tilespmem:s10], [sflag:$0x1] =	stream.indirect.gather [hbm4b:s3+s11], $0x80, s20, s11, $0xb8;
	[tilespmem:$0x14400] =	vst v63  }
0x2c: {  	_ =	swait.ge [sflag:s14], $0x7000  }
0x2d: {  	s21 =	smov.u32 s24;
	s20 =	sshra.s32 s23, $0x2;
	[sflag:s14] =	ssyncset.done $0x0  }
0x2e: {  	s21 =	sadd.s32 $0x2920, s20;
	[sflag:s14] =	ssyncadd.s32 $0xFFFF9000  }
0x2f: {  	[tilespmem:s12], [sflag:$0x2] =	stream.indirect.gather [hbm4b:s3+s11], $0x80, s21, s11, $0xb8;
	[tilespmem:$0x14400] =	vst v63  }
0x30: {  	_ =	swait.ge [sflag:s13], $0x7000  }
0x31: {  	[sflag:s13] =	ssyncset.done $0x0  }
0x32: {  	s31 =	sadd.s32 $0x2A00, s20;
	[sflag:s13] =	ssyncadd.s32 $0xFFFF9000  }
0x33: {  	[tilespmem:s10], [sflag:$0x1] =	stream.indirect.gather [hbm4b:s3+s11], $0x80, s31, s11, $0xb8;
	[tilespmem:$0x14400] =	vst v63  }
0x34: {  	_ =	swait.ge [sflag:s14], $0x7000  }
0x35: {  	[sflag:s14] =	ssyncset.done $0x0  }
0x36: {  	[sflag:s14] =	ssyncadd.s32 $0xFFFF9000  }
0x37: {  	[tilespmem:s12], [sflag:$0x2] =	stream.indirect.gather [hbm4b:s3+s11], $0x80, s15, s11, $0xb8;
	[tilespmem:$0x14400] =	vst v63  }
0x38: {  	_ =	swait.ge [sflag:s13], $0x7000  }
0x39: {  	[sflag:s13] =	ssyncset.done $0x0  }
0x3a: {  	[sflag:s13] =	ssyncadd.s32 $0xFFFF9000  }
0x3b: {  	_ =	swait.ge [sflag:s14], $0x7000  }
0x3c: {  	s19 =	sadd.s32 $0x1, s19;
	[sflag:s14] =	ssyncset.done $0x0  }
0x3d: {  	p0 =	sne.s32 s19, s7;
	[sflag:s14] =	ssyncadd.s32 $0xFFFF9000  }
.Ltmp1:
0x3e: {  	[bflag:$0x0] =	sbarrier.arrive $0xFFFF;
	(pc) =	sbr.rel @p0 .LBB2_1-.Ltmp1, $4  }
0x3f: {  	[hbm:s16], [sflag:s17] =	dma.local [spmem:s18], $0x2710  }
0x40: {  	_ =	swait.ge [sflag:s8], $0x2710  }
0x41: {  	[sflag:s8] =	ssyncset.done $0x0  }
0x42: {  	[sflag:s8] =	ssyncadd.s32 $0xFFFFD8F0  }
0x43: {  	_ =	sfence.sel $0x180000  }
0x44: {  	[bflag:$0x0] =	sbarrier.arrive $0xFFFF  }
0x45: {  	p0 =	sne.s32 s1, $0x0;
	_ =	strace $0x90000047  }
0x46: {  	s0 =	sadd.s32 @!p0 $0x100000, s0;
	[bflag:$0x2] =	sbarrier.arrive $0xFFFF  }
0x47: {  	[sflag:s0] =	ssyncadd.tile.s32 @!p0 $0x1;
	_ =	shalt  }
.Lfunc_end2:
_tile_overlayer_lowered:
.L_overlay_start_2:
0x48: {  	(tag) =	ssettag $0x2  }
0x49: {  	s0 =	rddreg [dreg:$0x0];
	s2 =	stileid.u32  }
0x4a: {  	s1 =	rddreg [dreg:$0x1];
	p0 =	sne.s32 s2, $0x0  }
0x4b: {  	s3 =	rddreg [dreg:$0x2];
	[bflag:$0x3] =	sbarrier.arrive $0xFFFF;
	s2 =	simm.s32 @!p0 $0x1C03  }
0x4c: {  	[timem:s3], [sflag:s2] =	dma.local @!p0 [hbm:s0], s1  }
0x4d: {  	s0 =	simm.s32 @!p0 $0x3  }
0x4e: {  	_ =	swait.ge @!p0 [sflag:s0], s1  }
0x4f: {  	s1 =	ssub.s32 @!p0 $0x0, s1;
	[sflag:s0] =	ssyncset.done @!p0 $0x0  }
0x50: {  	[sflag:s0] =	ssyncadd.s32 @!p0 s1  }
0x51: {  	[bflag:$0x3] =	sbarrier.arrive $0xFFFF  }
0x52: {  	_ =	shalt  }

// kernel: kernel.13.cloned.1.call-start
scs
__scs_entry_jumppad:
0x0: {  	(pc) =	sbr.rel $0x88, $3  }
0x1: {  	(tag) =	ssettag $0x0;
	lr =	simm.s32 $0x1  }
0x2: {  	[smem:$0x3F89] =	sst lr;
	_ =	strace $0xD0000000  }
0x3: {  	_ = 	snop  }
0x4: {  	_ = 	snop  }
0x5: {  	_ = 	snop  }
0x6: {  	_ = 	snop  }
0x7: {  	_ = 	snop  }
__scs_overlays_trampoline_lowered:
0x8: {  	[smem:$0x3F98] =	sst s0  }
0x9: {  	[smem:$0x3F99] =	sst s1  }
0xa: {  	[smem:$0x3F9A] =	sst s2  }
0xb: {  	[smem:$0x3F9B] =	sst s3  }
0xc: {  	[smem:$0x3F9C] =	sst s4  }
0xd: {  	[smem:$0x3F9D] =	sst s5  }
0xe: {  	[smem:$0x3F9E] =	sst s6  }
0xf: {  	[smem:$0x3F9F] =	sst s7  }
0x10: {  	[smem:$0x3FA0] =	sst s8  }
0x11: {  	[smem:$0x3FA1] =	sst s9;
	s0 =	simm.s32 @!p0 $0x0  }
0x12: {  	s1 =	sld [smem:$0x3F87];
	s0 =	simm.s32 @p0 $0x1  }
0x13: {  	[smem:$0x3FA2] =	sst s0;
	s0 =	simm.s32 @!p1 $0x0  }
0x14: {  	s2 =	sld [smem:$0x3F86];
	s0 =	simm.s32 @p1 $0x1  }
0x15: {  	[smem:$0x3FA3] =	sst s0;
	s0 =	simm.s32 @!p2 $0x0  }
0x16: {  	s3 =	sld [smem:$0x3FDB];
	s0 =	simm.s32 @p2 $0x1  }
0x17: {  	s4 =	simm.s32 $0x1BF5;
	[smem:$0x3FA5] =	sst s0  }
0x18: {  	s0 =	sld [smem:$0x3F88];
	_ =	swait.ge [sflag:s4], $0x0  }
0x19: {  	s7 =	sld [smem:$0x3F89]  }
0x1a: {  	s8 =	sadd.s32 $0xFFFFE003, lr  }
0x1b: {  	s9 =	sadd.s32 $0xFFFFFEF7, lr;
	s5 =	simm.s32 $0xFFFFFFFF;
	p2 =	slt.u32 s8, $0xFFFFF086  }
0x1c: {  	p1 =	slt.u32 s9, $0xF7A;
	s5 =	simm.s32 @!p2 $0x0  }
0x1d: {  	s5 =	simm.s32 @p1 $0x1;
	p0 =	seq.s32 s7, s2  }
0x1e: {  	s7 =	smul.u32 @!p0 $0xF7A, s2;
	p2 =	seq.s32 @!p0 s5, $0x0  }
0x1f: {  	s9 =	smul.u32 $0xF7A, s1;
	s8 =	simm.s32 @!p0 $0x1BF5;
	p2 =	por !p2, p0  }
0x20: {  	[sflag:s8] =	ssyncset.s32 @!p0 $0xFFFFF086;
	s6 =	sadd.s32 @!p0 s3, s7;
	s7 =	simm.s32 @!p0 $0x108  }
0x21: {  	s3 =	sadd.s32 s3, s9;
	s6 =	sadd.s32 @!p0 $0x88, s6;
	s7 =	simm.s32 @p2 $0x1082  }
0x22: {  	[simem:s7], [sflag:s8] =	dma.local @!p0 [hbm:s6], $0xF7A  }
0x23: {  	s9 =	sor.u32 $0xD0000000, s2;
	s6 =	simm.s32 $0x108;
	_ =	swait.ge @!p0 [sflag:s8], $0x0  }
0x24: {  	s3 =	sadd.s32 $0x88, s3;
	s6 =	simm.s32 @!p1 $0x1082;
	[sflag:s4] =	ssyncset.s32 $0xFFFFF086  }
0x25: {  	[simem:s6], [sflag:s4] =	dma.local [hbm:s3], $0xF7A  }
0x26: {  	[smem:$0x3F89] =	sst s1;
	(tag) =	ssettag s2;
	_ =	strace s9  }
0x27: {  	s1 =	sld [smem:$0x3F99]  }
0x28: {  	s2 =	sld [smem:$0x3F9A]  }
0x29: {  	s4 =	sld [smem:$0x3F9C]  }
0x2a: {  	p0 =	seq.s32 s5, $0x0;
	s5 =	sld [smem:$0x3F9D]  }
0x2b: {  	s6 =	sld [smem:$0x3F9E]  }
0x2c: {  	s7 =	sld [smem:$0x3F9F]  }
0x2d: {  	s3 =	simm.s32 $0x108;
	s8 =	sld [smem:$0x3FA0]  }
0x2e: {  	s3 =	simm.s32 @!p0 $0x1082;
	s9 =	sld [smem:$0x3FA1]  }
0x2f: {  	lr =	sadd.s32 s0, s3;
	s0 =	sld [smem:$0x3F98]  }
0x30: {  	s3 =	sld [smem:$0x3F9B]  }
0x31: {  	[smem:$0x3FA4] =	sst s10  }
0x32: {  	s10 =	sld [smem:$0x3FA2];
	_ =	sdelay $0x3  }
0x33: {  	p0 =	seq.s32 s10, $0x1;
	s10 =	sld [smem:$0x3FA4];
	_ =	sdelay $0x3  }
0x34: {  	[smem:$0x3FA4] =	sst s10  }
0x35: {  	s10 =	sld [smem:$0x3FA3];
	_ =	sdelay $0x3  }
0x36: {  	p1 =	seq.s32 s10, $0x1;
	s10 =	sld [smem:$0x3FA4];
	_ =	sdelay $0x3  }
0x37: {  	[smem:$0x3FA4] =	sst s10  }
0x38: {  	s10 =	sld [smem:$0x3FA5]  }
0x39: {  	_ = 	snop;
	(pc) =	sbr.ind lr, $3  }
0x3a: {  	_ = 	snop  }
0x3b: {  	_ = 	snop  }
0x3c: {  	p2 =	seq.s32 s10, $0x1;
	s10 =	sld [smem:$0x3FA4]  }
0x3d: {  	_ =	shalt  }
0x3e: {  	_ =	shalt  }
0x3f: {  	_ =	shalt  }
0x40: {  	_ =	shalt  }
0x41: {  	_ =	shalt  }
0x42: {  	_ =	shalt  }
0x43: {  	_ =	shalt  }
0x44: {  	_ =	shalt  }
0x45: {  	_ =	shalt  }
0x46: {  	_ =	shalt  }
0x47: {  	_ =	shalt  }
0x48: {  	_ =	shalt  }
0x49: {  	_ =	shalt  }
0x4a: {  	_ =	shalt  }
0x4b: {  	_ =	shalt  }
0x4c: {  	_ =	shalt  }
0x4d: {  	_ =	shalt  }
0x4e: {  	_ =	shalt  }
0x4f: {  	_ =	shalt  }
0x50: {  	_ =	shalt  }
0x51: {  	_ =	shalt  }
0x52: {  	_ =	shalt  }
0x53: {  	_ =	shalt  }
0x54: {  	_ =	shalt  }
0x55: {  	_ =	shalt  }
0x56: {  	_ =	shalt  }
0x57: {  	_ =	shalt  }
0x58: {  	_ =	shalt  }
0x59: {  	_ =	shalt  }
0x5a: {  	_ =	shalt  }
0x5b: {  	_ =	shalt  }
0x5c: {  	_ =	shalt  }
0x5d: {  	_ =	shalt  }
0x5e: {  	_ =	shalt  }
0x5f: {  	_ =	shalt  }
0x60: {  	_ =	shalt  }
0x61: {  	_ =	shalt  }
0x62: {  	_ =	shalt  }
0x63: {  	_ =	shalt  }
0x64: {  	_ =	shalt  }
0x65: {  	_ =	shalt  }
0x66: {  	_ =	shalt  }
0x67: {  	_ =	shalt  }
0x68: {  	_ =	shalt  }
0x69: {  	_ =	shalt  }
0x6a: {  	_ =	shalt  }
0x6b: {  	_ =	shalt  }
0x6c: {  	_ =	shalt  }
0x6d: {  	_ =	shalt  }
0x6e: {  	_ =	shalt  }
0x6f: {  	_ =	shalt  }
0x70: {  	_ =	shalt  }
0x71: {  	_ =	shalt  }
0x72: {  	_ =	shalt  }
0x73: {  	_ =	shalt  }
0x74: {  	_ =	shalt  }
0x75: {  	_ =	shalt  }
0x76: {  	_ =	shalt  }
0x77: {  	_ =	shalt  }
0x78: {  	_ =	shalt  }
0x79: {  	_ =	shalt  }
0x7a: {  	_ =	shalt  }
0x7b: {  	_ =	shalt  }
0x7c: {  	_ =	shalt  }
0x7d: {  	_ =	shalt  }
0x7e: {  	_ =	shalt  }
0x7f: {  	_ =	shalt  }
0x80: {  	_ =	shalt  }
0x81: {  	_ =	shalt  }
0x82: {  	_ =	shalt  }
0x83: {  	_ =	shalt  }
0x84: {  	_ =	shalt  }
0x85: {  	_ =	shalt  }
0x86: {  	_ =	shalt  }
0x87: {  	_ =	shalt  }
.Lfunc_end0:
.L_simem_size_0:
called_computation.1_lowered:
.L_overlay_start_0:
0x88: {  	s2 =	sld [smem:$0x3FD9]  }
0x89: {  	s3 =	sld [smem:$0x3FFE];
	_ =	sdelay $0x1  }
0x8a: {  	s1 =	srdreg.scid  }
0x8b: {  	s0 =	sand.u32 $0x1, s1  }
0x8c: {  	s16 =	sshll.u32 s0, $0xA;
	s2 =	sadd.s32 s3, s2  }
0x8d: {  	s2 =	sadd.s32 s2, s16  }
0x8e: {  	[smem:$0x3FB0] =	sst s2  }
0x8f: {  	_ = 	snop  }
0x90: {  	(tm) =	ssettm $0x1  }
0x91: {  	s17 =	sld [smem:$0x3FFB];
	_ =	sdelay $0x3  }
0x92: {  	_ =	strace s17  }
0x93: {  	s2 =	sld [smem:$0x3FFC];
	_ =	sdelay $0x3  }
0x94: {  	_ =	strace s2  }
0x95: {  	s2 =	sld [smem:$0x3FFD];
	_ =	sdelay $0x3  }
0x96: {  	_ =	strace s2  }
0x97: {  	_ =	strace $0x8FFFFFFF  }
0x98: {  	s18 =	sld [smem:$0x3FDB];
	_ =	sdelay $0x1  }
0x99: {  	s19 =	simm.s32 $_scs_section_size  }
0x9a: {  	s4 =	simm.s32 $_size__tile_overlayer_lowered;
	s5 =	simm.s32 $_tile_overlayer_lowered  }
0x9b: {  	s22 =	simm.s32 $0x1BFF;
	s21 =	sshll.u32 s5, $0x1;
	s2 =	sadd.s32 s19, s18  }
0x9c: {  	s6 =	simm.s32 $0x0;
	s20 =	sshll.u32 s4, $0x1;
	s4 =	sadd.s32 s21, s2  }
0x9d: {  	[timem:s6], [sflag:s22] =	dma.local [hbm:s4], s20  }
0x9e: {  	_ =	swait.ge [sflag:s22], s20  }
0x9f: {  	s3 =	ssub.s32 $0x0, s20;
	[sflag:s22] =	ssyncset.done $0x0  }
0xa0: {  	[sflag:s22] =	ssyncadd.s32 s3;
	_ =	sdelay $0x1  }
0xa1: {  	s23 =	simm.s32 $0x1B8B  }
0xa2: {  	_ =	swait.ge [sflag:s23], $0x1  }
0xa3: {  	[sflag:s23] =	ssyncset.done $0x0  }
0xa4: {  	s25 =	simm.s32 $0x1B8E;
	s24 =	sld [smem:$0x3FFE];
	[sflag:s23] =	ssyncadd.s32 $0xFFFFFFFF  }
0xa5: {  	s26 =	simm.s32 $execute0_lowered;
	[smem:$0x3FD2] =	sst s25  }
0xa6: {  	s4 =	sshll.u32 s26, $0x1;
	_ =	strace $0x80000049;
	[dreg:$0x1] =	wrdreg $0xFFFFFFFF  }
0xa7: {  	s28 =	simm.s32 $_size_execute0_lowered;
	s2 =	sadd.s32 s2, s4;
	[dreg:$0x0] =	wrdreg $0x0  }
0xa8: {  	s4 =	sshll.u32 s28, $0x1;
	[dreg:$0x2] =	wrdreg s2  }
0xa9: {  	[dreg:$0x3] =	wrdreg s4  }
0xaa: {  	[dreg:$0x4] =	wrdreg $0xC0  }
0xab: {  	_ =	task [dreg:s6], $0x5FFFF  }
0xac: {  	[dreg:$0x1] =	wrdreg $0xFFFFFFFF  }
0xad: {  	[dreg:$0x0] =	wrdreg $0x60  }
0xae: {  	[dreg:$0x2] =	wrdreg s24  }
0xaf: {  	[dreg:$0x3] =	wrdreg $0x134000  }
0xb0: {  	[dreg:$0x4] =	wrdreg $0x9  }
0xb1: {  	_ =	task.clear_ibuf [dreg:s6], $0x5FFFF;
	_ =	strace $0x90000049  }
0xb2: {  	s29 =	simm.s32 $0x9;
	_ =	strace $0x8000004B  }
0xb3: {  	_ =	swait.ge [sflag:s29], $0x1  }
0xb4: {  	[sflag:s29] =	ssyncadd.s32 $0xFFFFFFFF  }
0xb5: {  	_ =	strace $0x9000004B  }
0xb6: {  	_ =	sfence  }
0xb7: {  	s30 =	sld [smem:$0x0];
	_ =	sdelay $0x2  }
0xb8: {  	s31 =	sshll.u32 s1, $0xD;
	s1 =	sshrl.u32 s1, $0x2  }
0xb9: {  	s3 =	sand.u32 $0x4000, s31;
	s1 =	sadd.s32 s1, s30  }
0xba: {  	s0 =	sor.u32 s3, s0;
	s1 =	sshll.u32 s1, $0x11  }
0xbb: {  	s0 =	sor.u32 s1, s0  }
0xbc: {  	s0 =	sadd.s32 $0x8F2B, s0  }
0xbd: {  	[sflag:s0] =	ssyncadd.remote.s32 $0x1  }
0xbe: {  	_ =	sfence.sel $0xFFFF  }
0xbf: {  	[dreg:$0x0] =	wrdreg $0xFFFFFFFF;
	(pc) =	sbr.abs _section_cstart, $3  }
0xc0: {  	[dreg:$0x1] =	wrdreg $0xFFFFFFFF  }
0xc1: {  	_ =	task.clear_ibuf [dreg:s6], $0x2FFFF;
	_ =	strace $0x9FFFFFFF  }
0xc2: {  	(tm) =	ssettm $0x7FFFFFFF  }
0xc3: {  	_ =	shalt  }
tec
execute0_lowered:
.L_overlay_start_1:
0x0: {  	(tag) =	ssettag $0x1  }
0x1: {  	s5 =	rddreg [dreg:$0x0]  }
0x2: {  	s18 =	rddreg [dreg:$0x1]  }
0x3: {  	s0 =	rddreg [dreg:$0x2];
	s2 =	simm.s32 $0x0;
	s1 =	stileid.u32  }
0x4: {  	s3 =	srdreg.scid;
	s11 =	simm.s32 $0xE0;
	s12 =	simm.s32 $0xC400  }
0x5: {  	s13 =	simm.s32 $0x1;
	s14 =	simm.s32 $0x2;
	s15 =	simm.s32 $0x2920  }
0x6: {  	s19 =	simm.s32 $0x0;
	[smem:$0x7FF] =	sst s2;
	s4 =	smul.u32 $0x540, s1  }
0x7: {  	s6 =	sand.u32 $0x1, s3;
	s3 =	sadd.s32 $0xEE00, s5;
	s17 =	smul.u32 $0x2710, s1  }
0x8: {  	s31 =	sshll.u32 s1, $0x6;
	s18 =	sshrl.u32 s18, $0x3;
	s7 =	smul.u32 $0x27100, s6  }
0x9: {  	_ =	strace $0x8000004A;
	s8 =	ssub.s32 $0x2, s6;
	s6 =	smul.u32 $0x5400, s6  }
0xa: {  	s9 =	sadd.s32 s4, s5;
	s4 =	sadd.s32 $0x62400, s5;
	s10 =	sshrl.u32 s8, $0x1  }
0xb: {  	s7 =	sadd.s32 s7, s5;
	s8 =	ssub.s32 s8, s10;
	s30 =	sadd.s32 s6, s9  }
0xc: {  	s6 =	sadd.s32 $0x5D000, s9;
	s9 =	simm.s32 $0x2A00;
	s10 =	simm.s32 $0x5400  }
0xd: {  	s5 =	sadd.s32 $0x4600, s30;
	s16 =	sadd.s32 $0x63200, s7;
	s7 =	smax.u32 s8, $0x1  }
0xe: {  	s8 =	simm.s32 $0x3;
	s16 =	sadd.s32 s17, s16;
	s17 =	sor.u32 $0x1C03, s31  }
.LBB2_1:
0xf: {  	[tilespmem:s2], [sflag:$0x3] =	stream.linear.gather [hbm4b:s5+s2], $0x2A00, $0x38;
	[tilespmem:$0x14400] =	vst v63  }
0x10: {  	_ =	swait.ge [sflag:s8], $0x2A00  }
0x11: {  	[sflag:s8] =	ssyncset.done $0x0  }
0x12: {  	[sflag:s8] =	ssyncadd.s32 $0xFFFFD600  }
0x13: {  	[tilespmem:s9], [sflag:$0x3] =	stream.linear.gather [hbm4b:s6+s2], $0x2A00, $0x38;
	[tilespmem:$0x14400] =	vst v63  }
0x14: {  	_ =	swait.ge [sflag:s8], $0x2A00  }
0x15: {  	[sflag:s8] =	ssyncset.done $0x0  }
0x16: {  	[sflag:s8] =	ssyncadd.s32 $0xFFFFD600  }
0x17: {  	[tilespmem:s10], [sflag:$0x3] =	stream.linear.gather [hbm4b:s4+s2], $0x7000, $0x38;
	[tilespmem:$0x14400] =	vst v63  }
0x18: {  	_ =	swait.ge [sflag:s8], $0x7000  }
0x19: {  	[sflag:s8] =	ssyncset.done $0x0  }
0x1a: {  	[sflag:s8] =	ssyncadd.s32 $0xFFFF9000  }
0x1b: {  	[bflag:$0x0] =	sbarrier.arrive $0xFFFF  }
0x1c: {  	[tilespmem:s10], [sflag:$0x1] =	stream.indirect.gather [hbm4b:s3+s11], $0x80, s2, s11, $0xb8;
	[tilespmem:$0x14400] =	vst v63  }
0x1d: {  	s20 =	simm.s32 $0xE0  }
0x1e: {  	[tilespmem:s12], [sflag:$0x2] =	stream.indirect.gather [hbm4b:s3+s11], $0x80, s20, s11, $0xb8;
	[tilespmem:$0x14400] =	vst v63  }
0x1f: {  	_ =	swait.ge [sflag:s13], $0x7000  }
0x20: {  	[sflag:s13] =	ssyncset.done $0x0  }
0x21: {  	s31 =	simm.s32 $0x1C0;
	[sflag:s13] =	ssyncadd.s32 $0xFFFF9000  }
0x22: {  	[tilespmem:s10], [sflag:$0x1] =	stream.indirect.gather [hbm4b:s3+s11], $0x80, s31, s11, $0xb8;
	[tilespmem:$0x14400] =	vst v63  }
0x23: {  	_ =	swait.ge [sflag:s14], $0x7000  }
0x24: {  	s21 =	simm.s32 $0xFFFF6D00;
	s20 =	simm.s32 $0xFFFFD980;
	[sflag:s14] =	ssyncset.done $0x0  }
.LBB2_2:
0x25: {  	s22 =	sadd.s32 $0x2920, s20  }
0x26: {  	[sflag:s14] =	ssyncadd.s32 $0xFFFF9000;
	s23 =	smov.u32 s21;
	s24 =	sadd.s32 $0x700, s21  }
0x27: {  	[tilespmem:s12], [sflag:$0x2] =	stream.indirect.gather [hbm4b:s3+s11], $0x80, s22, s11, $0xb8;
	[tilespmem:$0x14400] =	vst v63  }
0x28: {  	p0 =	sne.s32 s21, $0xFFFFF900;
	_ =	swait.ge [sflag:s13], $0x7000  }
.Ltmp0:
0x29: {  	[sflag:s13] =	ssyncset.done $0x0;
	(pc) =	sbr.rel @p0 .LBB2_2-.Ltmp0, $4  }
0x2a: {  	s20 =	sadd.s32 $0x2A00, s20;
	[sflag:s13] =	ssyncadd.s32 $0xFFFF9000  }
0x2b: {  	[tilespmem:s10], [sflag:$0x1] =	stream.indirect.gather [hbm4b:s3+s11], $0x80, s20, s11, $0xb8;
	[tilespmem:$0x14400] =	vst v63  }
0x2c: {  	_ =	swait.ge [sflag:s14], $0x7000  }
0x2d: {  	s21 =	smov.u32 s24;
	s20 =	sshra.s32 s23, $0x2;
	[sflag:s14] =	ssyncset.done $0x0  }
0x2e: {  	s21 =	sadd.s32 $0x2920, s20;
	[sflag:s14] =	ssyncadd.s32 $0xFFFF9000  }
0x2f: {  	[tilespmem:s12], [sflag:$0x2] =	stream.indirect.gather [hbm4b:s3+s11], $0x80, s21, s11, $0xb8;
	[tilespmem:$0x14400] =	vst v63  }
0x30: {  	_ =	swait.ge [sflag:s13], $0x7000  }
0x31: {  	[sflag:s13] =	ssyncset.done $0x0  }
0x32: {  	s31 =	sadd.s32 $0x2A00, s20;
	[sflag:s13] =	ssyncadd.s32 $0xFFFF9000  }
0x33: {  	[tilespmem:s10], [sflag:$0x1] =	stream.indirect.gather [hbm4b:s3+s11], $0x80, s31, s11, $0xb8;
	[tilespmem:$0x14400] =	vst v63  }
0x34: {  	_ =	swait.ge [sflag:s14], $0x7000  }
0x35: {  	[sflag:s14] =	ssyncset.done $0x0  }
0x36: {  	[sflag:s14] =	ssyncadd.s32 $0xFFFF9000  }
0x37: {  	[tilespmem:s12], [sflag:$0x2] =	stream.indirect.gather [hbm4b:s3+s11], $0x80, s15, s11, $0xb8;
	[tilespmem:$0x14400] =	vst v63  }
0x38: {  	_ =	swait.ge [sflag:s13], $0x7000  }
0x39: {  	[sflag:s13] =	ssyncset.done $0x0  }
0x3a: {  	[sflag:s13] =	ssyncadd.s32 $0xFFFF9000  }
0x3b: {  	_ =	swait.ge [sflag:s14], $0x7000  }
0x3c: {  	s19 =	sadd.s32 $0x1, s19;
	[sflag:s14] =	ssyncset.done $0x0  }
0x3d: {  	p0 =	sne.s32 s19, s7;
	[sflag:s14] =	ssyncadd.s32 $0xFFFF9000  }
.Ltmp1:
0x3e: {  	[bflag:$0x0] =	sbarrier.arrive $0xFFFF;
	(pc) =	sbr.rel @p0 .LBB2_1-.Ltmp1, $4  }
0x3f: {  	[hbm:s16], [sflag:s17] =	dma.local [spmem:s18], $0x2710  }
0x40: {  	_ =	swait.ge [sflag:s8], $0x2710  }
0x41: {  	[sflag:s8] =	ssyncset.done $0x0  }
0x42: {  	[sflag:s8] =	ssyncadd.s32 $0xFFFFD8F0  }
0x43: {  	_ =	sfence.sel $0x180000  }
0x44: {  	[bflag:$0x0] =	sbarrier.arrive $0xFFFF  }
0x45: {  	p0 =	sne.s32 s1, $0x0;
	_ =	strace $0x9000004A  }
0x46: {  	s0 =	sadd.s32 @!p0 $0x100000, s0;
	[bflag:$0x2] =	sbarrier.arrive $0xFFFF  }
0x47: {  	[sflag:s0] =	ssyncadd.tile.s32 @!p0 $0x1;
	_ =	shalt  }
.Lfunc_end2:
_tile_overlayer_lowered:
.L_overlay_start_2:
0x48: {  	(tag) =	ssettag $0x2  }
0x49: {  	s0 =	rddreg [dreg:$0x0];
	s2 =	stileid.u32  }
0x4a: {  	s1 =	rddreg [dreg:$0x1];
	p0 =	sne.s32 s2, $0x0  }
0x4b: {  	s3 =	rddreg [dreg:$0x2];
	[bflag:$0x3] =	sbarrier.arrive $0xFFFF;
	s2 =	simm.s32 @!p0 $0x1C03  }
0x4c: {  	[timem:s3], [sflag:s2] =	dma.local @!p0 [hbm:s0], s1  }
0x4d: {  	s0 =	simm.s32 @!p0 $0x3  }
0x4e: {  	_ =	swait.ge @!p0 [sflag:s0], s1  }
0x4f: {  	s1 =	ssub.s32 @!p0 $0x0, s1;
	[sflag:s0] =	ssyncset.done @!p0 $0x0  }
0x50: {  	[sflag:s0] =	ssyncadd.s32 @!p0 s1  }
0x51: {  	[bflag:$0x3] =	sbarrier.arrive $0xFFFF  }
0x52: {  	_ =	shalt  }

// kernel: kernel.16.cloned.1.call-start
scs
__scs_entry_jumppad:
0x0: {  	(pc) =	sbr.rel $0x88, $3  }
0x1: {  	(tag) =	ssettag $0x0;
	lr =	simm.s32 $0x1  }
0x2: {  	[smem:$0x3F89] =	sst lr;
	_ =	strace $0xD0000000  }
0x3: {  	_ = 	snop  }
0x4: {  	_ = 	snop  }
0x5: {  	_ = 	snop  }
0x6: {  	_ = 	snop  }
0x7: {  	_ = 	snop  }
__scs_overlays_trampoline_lowered:
0x8: {  	[smem:$0x3F98] =	sst s0  }
0x9: {  	[smem:$0x3F99] =	sst s1  }
0xa: {  	[smem:$0x3F9A] =	sst s2  }
0xb: {  	[smem:$0x3F9B] =	sst s3  }
0xc: {  	[smem:$0x3F9C] =	sst s4  }
0xd: {  	[smem:$0x3F9D] =	sst s5  }
0xe: {  	[smem:$0x3F9E] =	sst s6  }
0xf: {  	[smem:$0x3F9F] =	sst s7  }
0x10: {  	[smem:$0x3FA0] =	sst s8  }
0x11: {  	[smem:$0x3FA1] =	sst s9;
	s0 =	simm.s32 @!p0 $0x0  }
0x12: {  	s1 =	sld [smem:$0x3F87];
	s0 =	simm.s32 @p0 $0x1  }
0x13: {  	[smem:$0x3FA2] =	sst s0;
	s0 =	simm.s32 @!p1 $0x0  }
0x14: {  	s2 =	sld [smem:$0x3F86];
	s0 =	simm.s32 @p1 $0x1  }
0x15: {  	[smem:$0x3FA3] =	sst s0;
	s0 =	simm.s32 @!p2 $0x0  }
0x16: {  	s3 =	sld [smem:$0x3FDB];
	s0 =	simm.s32 @p2 $0x1  }
0x17: {  	s4 =	simm.s32 $0x1BF5;
	[smem:$0x3FA5] =	sst s0  }
0x18: {  	s0 =	sld [smem:$0x3F88];
	_ =	swait.ge [sflag:s4], $0x0  }
0x19: {  	s7 =	sld [smem:$0x3F89]  }
0x1a: {  	s8 =	sadd.s32 $0xFFFFE003, lr  }
0x1b: {  	s9 =	sadd.s32 $0xFFFFFEF7, lr;
	s5 =	simm.s32 $0xFFFFFFFF;
	p2 =	slt.u32 s8, $0xFFFFF086  }
0x1c: {  	p1 =	slt.u32 s9, $0xF7A;
	s5 =	simm.s32 @!p2 $0x0  }
0x1d: {  	s5 =	simm.s32 @p1 $0x1;
	p0 =	seq.s32 s7, s2  }
0x1e: {  	s7 =	smul.u32 @!p0 $0xF7A, s2;
	p2 =	seq.s32 @!p0 s5, $0x0  }
0x1f: {  	s9 =	smul.u32 $0xF7A, s1;
	s8 =	simm.s32 @!p0 $0x1BF5;
	p2 =	por !p2, p0  }
0x20: {  	[sflag:s8] =	ssyncset.s32 @!p0 $0xFFFFF086;
	s6 =	sadd.s32 @!p0 s3, s7;
	s7 =	simm.s32 @!p0 $0x108  }
0x21: {  	s3 =	sadd.s32 s3, s9;
	s6 =	sadd.s32 @!p0 $0x88, s6;
	s7 =	simm.s32 @p2 $0x1082  }
0x22: {  	[simem:s7], [sflag:s8] =	dma.local @!p0 [hbm:s6], $0xF7A  }
0x23: {  	s9 =	sor.u32 $0xD0000000, s2;
	s6 =	simm.s32 $0x108;
	_ =	swait.ge @!p0 [sflag:s8], $0x0  }
0x24: {  	s3 =	sadd.s32 $0x88, s3;
	s6 =	simm.s32 @!p1 $0x1082;
	[sflag:s4] =	ssyncset.s32 $0xFFFFF086  }
0x25: {  	[simem:s6], [sflag:s4] =	dma.local [hbm:s3], $0xF7A  }
0x26: {  	[smem:$0x3F89] =	sst s1;
	(tag) =	ssettag s2;
	_ =	strace s9  }
0x27: {  	s1 =	sld [smem:$0x3F99]  }
0x28: {  	s2 =	sld [smem:$0x3F9A]  }
0x29: {  	s4 =	sld [smem:$0x3F9C]  }
0x2a: {  	p0 =	seq.s32 s5, $0x0;
	s5 =	sld [smem:$0x3F9D]  }
0x2b: {  	s6 =	sld [smem:$0x3F9E]  }
0x2c: {  	s7 =	sld [smem:$0x3F9F]  }
0x2d: {  	s3 =	simm.s32 $0x108;
	s8 =	sld [smem:$0x3FA0]  }
0x2e: {  	s3 =	simm.s32 @!p0 $0x1082;
	s9 =	sld [smem:$0x3FA1]  }
0x2f: {  	lr =	sadd.s32 s0, s3;
	s0 =	sld [smem:$0x3F98]  }
0x30: {  	s3 =	sld [smem:$0x3F9B]  }
0x31: {  	[smem:$0x3FA4] =	sst s10  }
0x32: {  	s10 =	sld [smem:$0x3FA2];
	_ =	sdelay $0x3  }
0x33: {  	p0 =	seq.s32 s10, $0x1;
	s10 =	sld [smem:$0x3FA4];
	_ =	sdelay $0x3  }
0x34: {  	[smem:$0x3FA4] =	sst s10  }
0x35: {  	s10 =	sld [smem:$0x3FA3];
	_ =	sdelay $0x3  }
0x36: {  	p1 =	seq.s32 s10, $0x1;
	s10 =	sld [smem:$0x3FA4];
	_ =	sdelay $0x3  }
0x37: {  	[smem:$0x3FA4] =	sst s10  }
0x38: {  	s10 =	sld [smem:$0x3FA5]  }
0x39: {  	_ = 	snop;
	(pc) =	sbr.ind lr, $3  }
0x3a: {  	_ = 	snop  }
0x3b: {  	_ = 	snop  }
0x3c: {  	p2 =	seq.s32 s10, $0x1;
	s10 =	sld [smem:$0x3FA4]  }
0x3d: {  	_ =	shalt  }
0x3e: {  	_ =	shalt  }
0x3f: {  	_ =	shalt  }
0x40: {  	_ =	shalt  }
0x41: {  	_ =	shalt  }
0x42: {  	_ =	shalt  }
0x43: {  	_ =	shalt  }
0x44: {  	_ =	shalt  }
0x45: {  	_ =	shalt  }
0x46: {  	_ =	shalt  }
0x47: {  	_ =	shalt  }
0x48: {  	_ =	shalt  }
0x49: {  	_ =	shalt  }
0x4a: {  	_ =	shalt  }
0x4b: {  	_ =	shalt  }
0x4c: {  	_ =	shalt  }
0x4d: {  	_ =	shalt  }
0x4e: {  	_ =	shalt  }
0x4f: {  	_ =	shalt  }
0x50: {  	_ =	shalt  }
0x51: {  	_ =	shalt  }
0x52: {  	_ =	shalt  }
0x53: {  	_ =	shalt  }
0x54: {  	_ =	shalt  }
0x55: {  	_ =	shalt  }
0x56: {  	_ =	shalt  }
0x57: {  	_ =	shalt  }
0x58: {  	_ =	shalt  }
0x59: {  	_ =	shalt  }
0x5a: {  	_ =	shalt  }
0x5b: {  	_ =	shalt  }
0x5c: {  	_ =	shalt  }
0x5d: {  	_ =	shalt  }
0x5e: {  	_ =	shalt  }
0x5f: {  	_ =	shalt  }
0x60: {  	_ =	shalt  }
0x61: {  	_ =	shalt  }
0x62: {  	_ =	shalt  }
0x63: {  	_ =	shalt  }
0x64: {  	_ =	shalt  }
0x65: {  	_ =	shalt  }
0x66: {  	_ =	shalt  }
0x67: {  	_ =	shalt  }
0x68: {  	_ =	shalt  }
0x69: {  	_ =	shalt  }
0x6a: {  	_ =	shalt  }
0x6b: {  	_ =	shalt  }
0x6c: {  	_ =	shalt  }
0x6d: {  	_ =	shalt  }
0x6e: {  	_ =	shalt  }
0x6f: {  	_ =	shalt  }
0x70: {  	_ =	shalt  }
0x71: {  	_ =	shalt  }
0x72: {  	_ =	shalt  }
0x73: {  	_ =	shalt  }
0x74: {  	_ =	shalt  }
0x75: {  	_ =	shalt  }
0x76: {  	_ =	shalt  }
0x77: {  	_ =	shalt  }
0x78: {  	_ =	shalt  }
0x79: {  	_ =	shalt  }
0x7a: {  	_ =	shalt  }
0x7b: {  	_ =	shalt  }
0x7c: {  	_ =	shalt  }
0x7d: {  	_ =	shalt  }
0x7e: {  	_ =	shalt  }
0x7f: {  	_ =	shalt  }
0x80: {  	_ =	shalt  }
0x81: {  	_ =	shalt  }
0x82: {  	_ =	shalt  }
0x83: {  	_ =	shalt  }
0x84: {  	_ =	shalt  }
0x85: {  	_ =	shalt  }
0x86: {  	_ =	shalt  }
0x87: {  	_ =	shalt  }
.Lfunc_end0:
.L_simem_size_0:
called_computation.2_lowered:
.L_overlay_start_0:
0x88: {  	s2 =	sld [smem:$0x3FD9]  }
0x89: {  	s3 =	sld [smem:$0x3FFE];
	_ =	sdelay $0x1  }
0x8a: {  	s1 =	srdreg.scid  }
0x8b: {  	s0 =	sand.u32 $0x1, s1  }
0x8c: {  	s16 =	sshll.u32 s0, $0xA;
	s2 =	sadd.s32 s3, s2  }
0x8d: {  	s2 =	sadd.s32 s2, s16  }
0x8e: {  	[smem:$0x3FB0] =	sst s2  }
0x8f: {  	_ = 	snop  }
0x90: {  	(tm) =	ssettm $0x1  }
0x91: {  	s17 =	sld [smem:$0x3FFB];
	_ =	sdelay $0x3  }
0x92: {  	_ =	strace s17  }
0x93: {  	s2 =	sld [smem:$0x3FFC];
	_ =	sdelay $0x3  }
0x94: {  	_ =	strace s2  }
0x95: {  	s2 =	sld [smem:$0x3FFD];
	_ =	sdelay $0x3  }
0x96: {  	_ =	strace s2  }
0x97: {  	_ =	strace $0x8FFFFFFF  }
0x98: {  	s18 =	sld [smem:$0x3FDB];
	_ =	sdelay $0x1  }
0x99: {  	s19 =	simm.s32 $_scs_section_size  }
0x9a: {  	s4 =	simm.s32 $_size__tile_overlayer_lowered;
	s5 =	simm.s32 $_tile_overlayer_lowered  }
0x9b: {  	s22 =	simm.s32 $0x1BFF;
	s21 =	sshll.u32 s5, $0x1;
	s2 =	sadd.s32 s19, s18  }
0x9c: {  	s6 =	simm.s32 $0x0;
	s20 =	sshll.u32 s4, $0x1;
	s4 =	sadd.s32 s21, s2  }
0x9d: {  	[timem:s6], [sflag:s22] =	dma.local [hbm:s4], s20  }
0x9e: {  	_ =	swait.ge [sflag:s22], s20  }
0x9f: {  	s3 =	ssub.s32 $0x0, s20;
	[sflag:s22] =	ssyncset.done $0x0  }
0xa0: {  	[sflag:s22] =	ssyncadd.s32 s3;
	_ =	sdelay $0x1  }
0xa1: {  	s23 =	simm.s32 $0x1B8B  }
0xa2: {  	_ =	swait.ge [sflag:s23], $0x1  }
0xa3: {  	[sflag:s23] =	ssyncset.done $0x0  }
0xa4: {  	s25 =	simm.s32 $0x1B8E;
	s24 =	sld [smem:$0x3FFE];
	[sflag:s23] =	ssyncadd.s32 $0xFFFFFFFF  }
0xa5: {  	s26 =	simm.s32 $execute0_lowered;
	[smem:$0x3FD2] =	sst s25  }
0xa6: {  	s4 =	sshll.u32 s26, $0x1;
	_ =	strace $0x8000004C;
	[dreg:$0x1] =	wrdreg $0xFFFFFFFF  }
0xa7: {  	s28 =	simm.s32 $_size_execute0_lowered;
	s2 =	sadd.s32 s2, s4;
	[dreg:$0x0] =	wrdreg $0x0  }
0xa8: {  	s4 =	sshll.u32 s28, $0x1;
	[dreg:$0x2] =	wrdreg s2  }
0xa9: {  	[dreg:$0x3] =	wrdreg s4  }
0xaa: {  	[dreg:$0x4] =	wrdreg $0xC0  }
0xab: {  	_ =	task [dreg:s6], $0x5FFFF  }
0xac: {  	[dreg:$0x1] =	wrdreg $0xFFFFFFFF  }
0xad: {  	[dreg:$0x0] =	wrdreg $0x60  }
0xae: {  	[dreg:$0x2] =	wrdreg s24  }
0xaf: {  	[dreg:$0x3] =	wrdreg $0x134000  }
0xb0: {  	[dreg:$0x4] =	wrdreg $0x9  }
0xb1: {  	_ =	task.clear_ibuf [dreg:s6], $0x5FFFF;
	_ =	strace $0x9000004C  }
0xb2: {  	s29 =	simm.s32 $0x9;
	_ =	strace $0x8000004E  }
0xb3: {  	_ =	swait.ge [sflag:s29], $0x1  }
0xb4: {  	[sflag:s29] =	ssyncadd.s32 $0xFFFFFFFF  }
0xb5: {  	_ =	strace $0x9000004E  }
0xb6: {  	_ =	sfence  }
0xb7: {  	s30 =	sld [smem:$0x0];
	_ =	sdelay $0x2  }
0xb8: {  	s31 =	sshll.u32 s1, $0xD;
	s1 =	sshrl.u32 s1, $0x2  }
0xb9: {  	s3 =	sand.u32 $0x4000, s31;
	s1 =	sadd.s32 s1, s30  }
0xba: {  	s0 =	sor.u32 s3, s0;
	s1 =	sshll.u32 s1, $0x11  }
0xbb: {  	s0 =	sor.u32 s1, s0  }
0xbc: {  	s0 =	sadd.s32 $0x8F2B, s0  }
0xbd: {  	[sflag:s0] =	ssyncadd.remote.s32 $0x1  }
0xbe: {  	_ =	sfence.sel $0xFFFF  }
0xbf: {  	[dreg:$0x0] =	wrdreg $0xFFFFFFFF;
	(pc) =	sbr.abs _section_cstart, $3  }
0xc0: {  	[dreg:$0x1] =	wrdreg $0xFFFFFFFF  }
0xc1: {  	_ =	task.clear_ibuf [dreg:s6], $0x2FFFF;
	_ =	strace $0x9FFFFFFF  }
0xc2: {  	(tm) =	ssettm $0x7FFFFFFF  }
0xc3: {  	_ =	shalt  }
tec
execute0_lowered:
.L_overlay_start_1:
0x0: {  	(tag) =	ssettag $0x1  }
0x1: {  	s5 =	rddreg [dreg:$0x0]  }
0x2: {  	s18 =	rddreg [dreg:$0x1]  }
0x3: {  	s0 =	rddreg [dreg:$0x2];
	s2 =	simm.s32 $0x0;
	s1 =	stileid.u32  }
0x4: {  	s3 =	srdreg.scid;
	s11 =	simm.s32 $0xE0;
	s12 =	simm.s32 $0xC400  }
0x5: {  	s13 =	simm.s32 $0x1;
	s14 =	simm.s32 $0x2;
	s15 =	simm.s32 $0x2920  }
0x6: {  	s19 =	simm.s32 $0x0;
	[smem:$0x7FF] =	sst s2;
	s4 =	smul.u32 $0x540, s1  }
0x7: {  	s6 =	sand.u32 $0x1, s3;
	s3 =	sadd.s32 $0xEE00, s5;
	s17 =	smul.u32 $0x2710, s1  }
0x8: {  	s31 =	sshll.u32 s1, $0x6;
	s18 =	sshrl.u32 s18, $0x3;
	s7 =	smul.u32 $0x27100, s6  }
0x9: {  	_ =	strace $0x8000004D;
	s8 =	ssub.s32 $0x2, s6;
	s6 =	smul.u32 $0x5400, s6  }
0xa: {  	s9 =	sadd.s32 s4, s5;
	s4 =	sadd.s32 $0x62400, s5;
	s10 =	sshrl.u32 s8, $0x1  }
0xb: {  	s7 =	sadd.s32 s7, s5;
	s8 =	ssub.s32 s8, s10;
	s30 =	sadd.s32 s6, s9  }
0xc: {  	s6 =	sadd.s32 $0x5D000, s9;
	s9 =	simm.s32 $0x2A00;
	s10 =	simm.s32 $0x5400  }
0xd: {  	s5 =	sadd.s32 $0x4600, s30;
	s16 =	sadd.s32 $0x63200, s7;
	s7 =	smax.u32 s8, $0x1  }
0xe: {  	s8 =	simm.s32 $0x3;
	s16 =	sadd.s32 s17, s16;
	s17 =	sor.u32 $0x1C03, s31  }
.LBB2_1:
0xf: {  	[tilespmem:s2], [sflag:$0x3] =	stream.linear.gather [hbm4b:s5+s2], $0x2A00, $0x38;
	[tilespmem:$0x14400] =	vst v63  }
0x10: {  	_ =	swait.ge [sflag:s8], $0x2A00  }
0x11: {  	[sflag:s8] =	ssyncset.done $0x0  }
0x12: {  	[sflag:s8] =	ssyncadd.s32 $0xFFFFD600  }
0x13: {  	[tilespmem:s9], [sflag:$0x3] =	stream.linear.gather [hbm4b:s6+s2], $0x2A00, $0x38;
	[tilespmem:$0x14400] =	vst v63  }
0x14: {  	_ =	swait.ge [sflag:s8], $0x2A00  }
0x15: {  	[sflag:s8] =	ssyncset.done $0x0  }
0x16: {  	[sflag:s8] =	ssyncadd.s32 $0xFFFFD600  }
0x17: {  	[tilespmem:s10], [sflag:$0x3] =	stream.linear.gather [hbm4b:s4+s2], $0x7000, $0x38;
	[tilespmem:$0x14400] =	vst v63  }
0x18: {  	_ =	swait.ge [sflag:s8], $0x7000  }
0x19: {  	[sflag:s8] =	ssyncset.done $0x0  }
0x1a: {  	[sflag:s8] =	ssyncadd.s32 $0xFFFF9000  }
0x1b: {  	[bflag:$0x0] =	sbarrier.arrive $0xFFFF  }
0x1c: {  	[tilespmem:s10], [sflag:$0x1] =	stream.indirect.gather [hbm4b:s3+s11], $0x80, s2, s11, $0xb8;
	[tilespmem:$0x14400] =	vst v63  }
0x1d: {  	s20 =	simm.s32 $0xE0  }
0x1e: {  	[tilespmem:s12], [sflag:$0x2] =	stream.indirect.gather [hbm4b:s3+s11], $0x80, s20, s11, $0xb8;
	[tilespmem:$0x14400] =	vst v63  }
0x1f: {  	_ =	swait.ge [sflag:s13], $0x7000  }
0x20: {  	[sflag:s13] =	ssyncset.done $0x0  }
0x21: {  	s31 =	simm.s32 $0x1C0;
	[sflag:s13] =	ssyncadd.s32 $0xFFFF9000  }
0x22: {  	[tilespmem:s10], [sflag:$0x1] =	stream.indirect.gather [hbm4b:s3+s11], $0x80, s31, s11, $0xb8;
	[tilespmem:$0x14400] =	vst v63  }
0x23: {  	_ =	swait.ge [sflag:s14], $0x7000  }
0x24: {  	s21 =	simm.s32 $0xFFFF6D00;
	s20 =	simm.s32 $0xFFFFD980;
	[sflag:s14] =	ssyncset.done $0x0  }
.LBB2_2:
0x25: {  	s22 =	sadd.s32 $0x2920, s20  }
0x26: {  	[sflag:s14] =	ssyncadd.s32 $0xFFFF9000;
	s23 =	smov.u32 s21;
	s24 =	sadd.s32 $0x700, s21  }
0x27: {  	[tilespmem:s12], [sflag:$0x2] =	stream.indirect.gather [hbm4b:s3+s11], $0x80, s22, s11, $0xb8;
	[tilespmem:$0x14400] =	vst v63  }
0x28: {  	p0 =	sne.s32 s21, $0xFFFFF900;
	_ =	swait.ge [sflag:s13], $0x7000  }
.Ltmp0:
0x29: {  	[sflag:s13] =	ssyncset.done $0x0;
	(pc) =	sbr.rel @p0 .LBB2_2-.Ltmp0, $4  }
0x2a: {  	s20 =	sadd.s32 $0x2A00, s20;
	[sflag:s13] =	ssyncadd.s32 $0xFFFF9000  }
0x2b: {  	[tilespmem:s10], [sflag:$0x1] =	stream.indirect.gather [hbm4b:s3+s11], $0x80, s20, s11, $0xb8;
	[tilespmem:$0x14400] =	vst v63  }
0x2c: {  	_ =	swait.ge [sflag:s14], $0x7000  }
0x2d: {  	s21 =	smov.u32 s24;
	s20 =	sshra.s32 s23, $0x2;
	[sflag:s14] =	ssyncset.done $0x0  }
0x2e: {  	s21 =	sadd.s32 $0x2920, s20;
	[sflag:s14] =	ssyncadd.s32 $0xFFFF9000  }
0x2f: {  	[tilespmem:s12], [sflag:$0x2] =	stream.indirect.gather [hbm4b:s3+s11], $0x80, s21, s11, $0xb8;
	[tilespmem:$0x14400] =	vst v63  }
0x30: {  	_ =	swait.ge [sflag:s13], $0x7000  }
0x31: {  	[sflag:s13] =	ssyncset.done $0x0  }
0x32: {  	s31 =	sadd.s32 $0x2A00, s20;
	[sflag:s13] =	ssyncadd.s32 $0xFFFF9000  }
0x33: {  	[tilespmem:s10], [sflag:$0x1] =	stream.indirect.gather [hbm4b:s3+s11], $0x80, s31, s11, $0xb8;
	[tilespmem:$0x14400] =	vst v63  }
0x34: {  	_ =	swait.ge [sflag:s14], $0x7000  }
0x35: {  	[sflag:s14] =	ssyncset.done $0x0  }
0x36: {  	[sflag:s14] =	ssyncadd.s32 $0xFFFF9000  }
0x37: {  	[tilespmem:s12], [sflag:$0x2] =	stream.indirect.gather [hbm4b:s3+s11], $0x80, s15, s11, $0xb8;
	[tilespmem:$0x14400] =	vst v63  }
0x38: {  	_ =	swait.ge [sflag:s13], $0x7000  }
0x39: {  	[sflag:s13] =	ssyncset.done $0x0  }
0x3a: {  	[sflag:s13] =	ssyncadd.s32 $0xFFFF9000  }
0x3b: {  	_ =	swait.ge [sflag:s14], $0x7000  }
0x3c: {  	s19 =	sadd.s32 $0x1, s19;
	[sflag:s14] =	ssyncset.done $0x0  }
0x3d: {  	p0 =	sne.s32 s19, s7;
	[sflag:s14] =	ssyncadd.s32 $0xFFFF9000  }
.Ltmp1:
0x3e: {  	[bflag:$0x0] =	sbarrier.arrive $0xFFFF;
	(pc) =	sbr.rel @p0 .LBB2_1-.Ltmp1, $4  }
0x3f: {  	[hbm:s16], [sflag:s17] =	dma.local [spmem:s18], $0x2710  }
0x40: {  	_ =	swait.ge [sflag:s8], $0x2710  }
0x41: {  	[sflag:s8] =	ssyncset.done $0x0  }
0x42: {  	[sflag:s8] =	ssyncadd.s32 $0xFFFFD8F0  }
0x43: {  	_ =	sfence.sel $0x180000  }
0x44: {  	[bflag:$0x0] =	sbarrier.arrive $0xFFFF  }
0x45: {  	p0 =	sne.s32 s1, $0x0;
	_ =	strace $0x9000004D  }
0x46: {  	s0 =	sadd.s32 @!p0 $0x100000, s0;
	[bflag:$0x2] =	sbarrier.arrive $0xFFFF  }
0x47: {  	[sflag:s0] =	ssyncadd.tile.s32 @!p0 $0x1;
	_ =	shalt  }
.Lfunc_end2:
_tile_overlayer_lowered:
.L_overlay_start_2:
0x48: {  	(tag) =	ssettag $0x2  }
0x49: {  	s0 =	rddreg [dreg:$0x0];
	s2 =	stileid.u32  }
0x4a: {  	s1 =	rddreg [dreg:$0x1];
	p0 =	sne.s32 s2, $0x0  }
0x4b: {  	s3 =	rddreg [dreg:$0x2];
	[bflag:$0x3] =	sbarrier.arrive $0xFFFF;
	s2 =	simm.s32 @!p0 $0x1C03  }
0x4c: {  	[timem:s3], [sflag:s2] =	dma.local @!p0 [hbm:s0], s1  }
0x4d: {  	s0 =	simm.s32 @!p0 $0x3  }
0x4e: {  	_ =	swait.ge @!p0 [sflag:s0], s1  }
0x4f: {  	s1 =	ssub.s32 @!p0 $0x0, s1;
	[sflag:s0] =	ssyncset.done @!p0 $0x0  }
0x50: {  	[sflag:s0] =	ssyncadd.s32 @!p0 s1  }
0x51: {  	[bflag:$0x3] =	sbarrier.arrive $0xFFFF  }
0x52: {  	_ =	shalt  }

</sc_bundles>
